<compile_context>
chip_gen: v7x
topology: tpu7x:2x2x1
jax: 0.10.2.dev20260603
libtpu: 0.0.44.dev20260713+nightly
codegen_flags: <defaults>
</compile_context>

<pallas_src>
import functools

import jax
import jax.numpy as jnp
import numpy as np
from jax import lax
from jax.experimental import pallas as pl
from jax.experimental.pallas import tpu as pltpu
from jax.experimental.pallas import tpu_sc as plsc

B, D, T = 16, 64, 1024
N = 1024
COMMITMENT_COST = 0.25


_I0 = np.int32(0)


_TT = 2048
_CH = 128


def _tc_body(x_ref, emb_ref, idx_ref, loss_ref):
    x = jnp.concatenate([x_ref[0], x_ref[1]], axis=1)
    emb = emb_ref[...]
    b2 = jnp.sum(emb * emb, axis=1)
    a_op = jnp.concatenate([-2.0 * emb, b2[:, None]], axis=1)
    x_op = jnp.concatenate([x, jnp.ones((1, _TT), jnp.float32)], axis=0)
    minv = jnp.full((_TT,), jnp.float32(3.0e38))
    argv = jnp.full((_TT,), jnp.int32(N))
    jloc = lax.broadcasted_iota(jnp.int32, (_CH, _TT), 0)
    for k in range(N // _CH):
        sk = lax.dot_general(
            a_op[k * _CH:(k + 1) * _CH], x_op, (((1,), (0,)), ((), ())),
            preferred_element_type=jnp.float32,
            precision=lax.Precision.HIGHEST)
        lmin = jnp.min(sk, axis=0)
        larg = jnp.min(jnp.where(sk == lmin[None, :], jloc, jnp.int32(N)),
                       axis=0) + jnp.int32(k * _CH)
        better = lmin < minv
        argv = jnp.where(better, larg, argv)
        minv = jnp.where(better, lmin, minv)
    idx_ref[0, 0] = argv
    a2 = jnp.sum(x * x, axis=0)
    part = jnp.sum(minv + a2)

    @pl.when(pl.program_id(0) == 0)
    def _():
        loss_ref[...] = jnp.zeros((1, 1), jnp.float32)

    loss_ref[...] += part.reshape(1, 1)


def _tc_argmin(inputs, embeddings, interpret=False):
    return pl.pallas_call(
        _tc_body,
        grid=(B // 2,),
        in_specs=[
            pl.BlockSpec((2, D, T), lambda i: (i, _I0, _I0)),
            pl.BlockSpec((N, D), lambda i: (_I0, _I0)),
        ],
        out_specs=[
            pl.BlockSpec((1, 1, _TT), lambda i: (i, _I0, _I0)),
            pl.BlockSpec((1, 1), lambda i: (_I0, _I0)),
        ],
        out_shape=[
            jax.ShapeDtypeStruct((B // 2, 1, _TT), jnp.int32),
            jax.ShapeDtypeStruct((1, 1), jnp.float32),
        ],
        interpret=interpret,
    )(inputs, embeddings)


_NC, _NS, _L = 2, 16, 16
_NW = _NC * _NS
_D_PER_W = D // _NW


def _sc_body(embt_hbm, idx_hbm, out_hbm, rows_v, idx_v, obuf_v, sem):
    wid = lax.axis_index("s") * jnp.int32(_NC) + lax.axis_index("c")
    d0 = wid * jnp.int32(_D_PER_W)
    pltpu.sync_copy(embt_hbm.at[pl.ds(d0 * jnp.int32(N), _D_PER_W * N)],
                    rows_v)
    pltpu.sync_copy(idx_hbm, idx_v)

    copies = []
    for b in range(B):
        def tile_body(i, _, b=b):
            t0 = pl.multiple_of(i * jnp.int32(_L), _L)
            idx16 = idx_v[pl.ds(t0 + jnp.int32(b * T), _L)]
            for dd in range(_D_PER_W):
                vals = plsc.load_gather(
                    rows_v, [idx16 + jnp.int32(dd * N)])
                obuf_v[pl.ds(t0 + jnp.int32((b * _D_PER_W + dd) * T), _L)] = (
                    vals)
            return jnp.int32(0)

        lax.fori_loop(jnp.int32(0), jnp.int32(T // _L), tile_body, jnp.int32(0))
        copies.append(pltpu.async_copy(
            obuf_v.at[pl.ds(b * _D_PER_W * T, _D_PER_W * T)],
            out_hbm.at[pl.ds((b * jnp.int32(D) + d0) * jnp.int32(T),
                             _D_PER_W * T)],
            sem))
    for c in copies:
        c.wait()


@functools.cache
def _sc_gather_fn():
    return pl.kernel(
        _sc_body,
        out_type=jax.ShapeDtypeStruct((B * D * T,), jnp.float32),
        mesh=plsc.VectorSubcoreMesh(core_axis_name="c", subcore_axis_name="s"),
        scratch_types=[
            pltpu.VMEM((_D_PER_W * N,), jnp.float32),
            pltpu.VMEM((B * T,), jnp.int32),
            pltpu.VMEM((B * _D_PER_W * T,), jnp.float32),
            pltpu.SemaphoreType.DMA,
        ],
        compiler_params=pltpu.CompilerParams(needs_layout_passes=False),
    )


def kernel(inputs, embeddings):
    idx3, loss_sum = _tc_argmin(inputs, embeddings)
    idx = idx3.reshape(B, T)
    quantized = _sc_gather_fn()(
        embeddings.T.reshape(-1), idx.reshape(-1)).reshape(B, D, T)
    mse = loss_sum[0, 0] / jnp.float32(B * D * T)
    loss = mse + COMMITMENT_COST * mse
    encoding_indices = idx.reshape(B * T).astype(jnp.int64)
    return (quantized, loss, mse, mse, encoding_indices)

# --- scband reference (transcript-rebuilt; emitter-appended) ---
"""Pipeline reference for scband-vector-quantizer-31894427140465 (READ-ONLY COPY).

The authoritative reference and input builder live on the scoring server;
editing this copy changes nothing except your own understanding.
"""

import jax, jax.numpy as jnp
import numpy as np
jax.config.update("jax_enable_x64", True)

NUM_EMBEDDINGS = 1024
EMBEDDING_DIM = 64
COMMITMENT_COST = 0.25


def setup_inputs(seed: int = 0) -> dict:
    key = jax.random.key(seed)
    k1, k2 = jax.random.split(key)
    inputs = jax.random.normal(k1, (16, 64, 1024), dtype=jnp.float32)
    embeddings = jax.random.uniform(
        k2, (NUM_EMBEDDINGS, EMBEDDING_DIM), dtype=jnp.float32,
        minval=-1.0 / NUM_EMBEDDINGS, maxval=1.0 / NUM_EMBEDDINGS)
    return {"inputs": inputs, "embeddings": embeddings}


def _cdist(a, b):
    # Euclidean pairwise distances, matches torch.cdist(p=2) semantics.
    a2 = jnp.sum(a * a, axis=1, keepdims=True)
    b2 = jnp.sum(b * b, axis=1)[None, :]
    d2 = a2 + b2 - 2.0 * (a @ b.T)
    return jnp.sqrt(jnp.maximum(d2, 0.0))


def reference(inputs, embeddings):
    B, D, T = inputs.shape
    flat_input = jnp.transpose(inputs, (0, 2, 1)).reshape(-1, D)
    distances = _cdist(flat_input.astype(jnp.float64), embeddings.astype(jnp.float64))
    encoding_indices = jnp.argmin(distances, axis=1)
    encodings = jax.nn.one_hot(encoding_indices, NUM_EMBEDDINGS, dtype=flat_input.dtype)
    quantized = jnp.take(embeddings, encoding_indices, axis=0)
    quantized = jnp.transpose(quantized.reshape(B, T, D), (0, 2, 1))
    quantized_detached = jax.lax.stop_gradient(quantized)
    e_latent_loss = jnp.mean((quantized_detached - inputs) ** 2)
    q_latent_loss = jnp.mean((quantized - jax.lax.stop_gradient(inputs)) ** 2)
    loss = q_latent_loss + COMMITMENT_COST * e_latent_loss
    quantized_st = inputs + jax.lax.stop_gradient(quantized - inputs)
    avg_probs = jnp.mean(encodings, axis=0)  # computed (as in torch) but not returned
    del avg_probs
    return (quantized_st, loss, e_latent_loss, q_latent_loss, encoding_indices)

if __name__ == "__main__":
    import jax
    _d = setup_inputs()
    print(jax.jit(kernel)(*tuple(_d.values())))

</pallas_src>

<mosaic_0001>
#map = affine_map<(d0, d1) -> (0)>
module attributes {stable_mosaic.version = 14 : i64} {
  func.func @_sc_body(%arg0: i32, %arg1: i32, %arg2: memref<65536xf32, #tpu.memory_space<hbm>>, %arg3: memref<16384xi32, #tpu.memory_space<hbm>>, %arg4: memref<1048576xf32, #tpu.memory_space<hbm>>, %arg5: memref<2048xf32, #tpu.memory_space<vmem>>, %arg6: memref<16384xi32, #tpu.memory_space<vmem>>, %arg7: memref<32768xf32, #tpu.memory_space<vmem>>, %arg8: memref<!tpu.dma_semaphore, #tpu.memory_space<semaphore_mem>>) attributes {dimension_semantics = [#tpu.dimension_semantics<core_parallel>, #tpu.dimension_semantics<subcore_parallel>], iteration_bounds = array<i64: 2, 16>, scalar_prefetch = 0 : i64, scratch_operands = 4 : i64, tpu.core_type = #tpu.core_type<sc_vector_subcore>, window_params = [{transform_indices = #map}, {transform_indices = #map}, {transform_indices = #map}]} {
    %mul3A = arith.constant 2 : i32
    %mul3A_0 = arith.muli %arg1, %mul3A : i32
    %add3A = arith.addi %mul3A_0, %arg0 : i32
    %mul3A_1 = arith.constant 2 : i32
    %mul3A_2 = arith.muli %add3A, %mul3A_1 : i32
    %mul3A_3 = arith.constant 1024 : i32
    %mul3A_4 = arith.muli %mul3A_2, %mul3A_3 : i32
    "tpu.region"() ({
      %run_scoped3A = tpu.sem_alloc : memref<!tpu.dma_semaphore, #tpu.memory_space<semaphore_mem>>
      %dma_start3A_498 = tpu.memref_slice %arg2[%mul3A_4] : memref<65536xf32, #tpu.memory_space<hbm>> -> memref<2048xf32, #tpu.memory_space<hbm>>
      %dma_start3A_499 = tpu.memref_slice %arg2[%mul3A_4] : memref<65536xf32, #tpu.memory_space<hbm>> -> memref<2048xf32, #tpu.memory_space<hbm>>
      tpu.enqueue_dma source(%dma_start3A_499 : memref<2048xf32, #tpu.memory_space<hbm>>) target(%arg5 : memref<2048xf32, #tpu.memory_space<vmem>>) target_semaphore(%run_scoped3A : memref<!tpu.dma_semaphore, #tpu.memory_space<semaphore_mem>>)
      %dma_wait3A_500 = tpu.memref_slice %arg2[%mul3A_4] : memref<65536xf32, #tpu.memory_space<hbm>> -> memref<2048xf32, #tpu.memory_space<hbm>>
      %dma_wait3A_501 = tpu.memref_slice %arg2[%mul3A_4] : memref<65536xf32, #tpu.memory_space<hbm>> -> memref<2048xf32, #tpu.memory_space<hbm>>
      tpu.wait_dma2 semaphore(%run_scoped3A : memref<!tpu.dma_semaphore, #tpu.memory_space<semaphore_mem>>) src(%dma_wait3A_501 : memref<2048xf32, #tpu.memory_space<hbm>>) dst(%arg5 : memref<2048xf32, #tpu.memory_space<vmem>>)
      tpu.yield
    }) : () -> ()
    "tpu.region"() ({
      %run_scoped3A = tpu.sem_alloc : memref<!tpu.dma_semaphore, #tpu.memory_space<semaphore_mem>>
      tpu.enqueue_dma source(%arg3 : memref<16384xi32, #tpu.memory_space<hbm>>) target(%arg6 : memref<16384xi32, #tpu.memory_space<vmem>>) target_semaphore(%run_scoped3A : memref<!tpu.dma_semaphore, #tpu.memory_space<semaphore_mem>>)
      tpu.wait_dma2 semaphore(%run_scoped3A : memref<!tpu.dma_semaphore, #tpu.memory_space<semaphore_mem>>) src(%arg3 : memref<16384xi32, #tpu.memory_space<hbm>>) dst(%arg6 : memref<16384xi32, #tpu.memory_space<vmem>>)
      tpu.yield
    }) : () -> ()
    %while3A = arith.constant 0 : i32
    %while3A_5 = arith.constant 64 : i32
    %while3A_6 = arith.constant 0 : i32
    %while3A_7 = arith.subi %while3A_5, %while3A : i32
    %while3A_8 = arith.addi %while3A, %while3A_7 : i32
    %while3A_9 = arith.constant 1 : i32
    %while3A_10 = arith.divsi %while3A_7, %while3A_9 : i32
    %while3A_11 = arith.muli %while3A_10, %while3A_9 : i32
    %while3A_12 = arith.addi %while3A, %while3A_11 : i32
    %while3A_13 = arith.constant 1 : i32
    %while3A_14 = scf.for %while3A_498 = %while3A to %while3A_12 step %while3A_13 iter_args(%while3A_499 = %while3A_6) -> (i32)  : i32 {
      %mul3A_500 = arith.constant 16 : i32
      %mul3A_501 = arith.muli %while3A_498, %mul3A_500 : i32
      %multiple_of3A = tpu.assume_multiple %mul3A_501, 16 : i32
      %add3A_502 = arith.constant 0 : i32
      %add3A_503 = arith.addi %multiple_of3A, %add3A_502 : i32
      %get3A = arith.index_cast %add3A_503 : i32 to index
      %get3A_504 = tpu.vector_load %arg6[%get3A] {strides = array<i32>} : memref<16384xi32, #tpu.memory_space<vmem>>, vector<16xi32>,
      %add3A_505 = arith.constant 0 : i32
      %add3A_506 = vector.broadcast %add3A_505 : i32 to vector<16xi32>
      %add3A_507 = arith.addi %get3A_504, %add3A_506 : vector<16xi32>
      %gather3A = tpu.vector_load_idx %arg5[%add3A_507] : memref<2048xf32, #tpu.memory_space<vmem>>[vector<16xi32>], vector<16xf32>,
      %add3A_508 = arith.constant 0 : i32
      %add3A_509 = arith.addi %multiple_of3A, %add3A_508 : i32
      %swap3A = arith.index_cast %add3A_509 : i32 to index
      %swap3A_510 = tpu.vector_load %arg7[%swap3A] {strides = array<i32>} : memref<32768xf32, #tpu.memory_space<vmem>>, vector<16xf32>,
      tpu.vector_store %arg7[%swap3A], %gather3A {strides = array<i32>} : memref<32768xf32, #tpu.memory_space<vmem>>, vector<16xf32>,
      %add3A_511 = arith.constant 1024 : i32
      %add3A_512 = vector.broadcast %add3A_511 : i32 to vector<16xi32>
      %add3A_513 = arith.addi %get3A_504, %add3A_512 : vector<16xi32>
      %gather3A_514 = tpu.vector_load_idx %arg5[%add3A_513] : memref<2048xf32, #tpu.memory_space<vmem>>[vector<16xi32>], vector<16xf32>,
      %add3A_515 = arith.constant 1024 : i32
      %add3A_516 = arith.addi %multiple_of3A, %add3A_515 : i32
      %swap3A_517 = arith.index_cast %add3A_516 : i32 to index
      %swap3A_518 = tpu.vector_load %arg7[%swap3A_517] {strides = array<i32>} : memref<32768xf32, #tpu.memory_space<vmem>>, vector<16xf32>,
      tpu.vector_store %arg7[%swap3A_517], %gather3A_514 {strides = array<i32>} : memref<32768xf32, #tpu.memory_space<vmem>>, vector<16xf32>,
      %while3A_519 = arith.constant 0 : i32
      scf.yield %while3A_519 : i32
    }
    %while3A_15 = arith.constant 1 : i32
    %while3A_16 = scf.for %while3A_498 = %while3A_12 to %while3A_8 step %while3A_15 iter_args(%while3A_499 = %while3A_14) -> (i32)  : i32 {
      %mul3A_500 = arith.constant 16 : i32
      %mul3A_501 = arith.muli %while3A_498, %mul3A_500 : i32
      %multiple_of3A = tpu.assume_multiple %mul3A_501, 16 : i32
      %add3A_502 = arith.constant 0 : i32
      %add3A_503 = arith.addi %multiple_of3A, %add3A_502 : i32
      %get3A = arith.index_cast %add3A_503 : i32 to index
      %get3A_504 = tpu.vector_load %arg6[%get3A] {strides = array<i32>} : memref<16384xi32, #tpu.memory_space<vmem>>, vector<16xi32>,
      %add3A_505 = arith.constant 0 : i32
      %add3A_506 = vector.broadcast %add3A_505 : i32 to vector<16xi32>
      %add3A_507 = arith.addi %get3A_504, %add3A_506 : vector<16xi32>
      %gather3A = tpu.vector_load_idx %arg5[%add3A_507] : memref<2048xf32, #tpu.memory_space<vmem>>[vector<16xi32>], vector<16xf32>,
      %add3A_508 = arith.constant 0 : i32
      %add3A_509 = arith.addi %multiple_of3A, %add3A_508 : i32
      %swap3A = arith.index_cast %add3A_509 : i32 to index
      %swap3A_510 = tpu.vector_load %arg7[%swap3A] {strides = array<i32>} : memref<32768xf32, #tpu.memory_space<vmem>>, vector<16xf32>,
      tpu.vector_store %arg7[%swap3A], %gather3A {strides = array<i32>} : memref<32768xf32, #tpu.memory_space<vmem>>, vector<16xf32>,
      %add3A_511 = arith.constant 1024 : i32
      %add3A_512 = vector.broadcast %add3A_511 : i32 to vector<16xi32>
      %add3A_513 = arith.addi %get3A_504, %add3A_512 : vector<16xi32>
      %gather3A_514 = tpu.vector_load_idx %arg5[%add3A_513] : memref<2048xf32, #tpu.memory_space<vmem>>[vector<16xi32>], vector<16xf32>,
      %add3A_515 = arith.constant 1024 : i32
      %add3A_516 = arith.addi %multiple_of3A, %add3A_515 : i32
      %swap3A_517 = arith.index_cast %add3A_516 : i32 to index
      %swap3A_518 = tpu.vector_load %arg7[%swap3A_517] {strides = array<i32>} : memref<32768xf32, #tpu.memory_space<vmem>>, vector<16xf32>,
      tpu.vector_store %arg7[%swap3A_517], %gather3A_514 {strides = array<i32>} : memref<32768xf32, #tpu.memory_space<vmem>>, vector<16xf32>,
      %while3A_519 = arith.constant 0 : i32
      scf.yield %while3A_519 : i32
    }
    %mul3A_17 = arith.constant 0 : i32
    %mul3A_18 = arith.constant 64 : i32
    %mul3A_19 = arith.muli %mul3A_17, %mul3A_18 : i32
    %add3A_20 = arith.addi %mul3A_19, %mul3A_2 : i32
    %mul3A_21 = arith.constant 1024 : i32
    %mul3A_22 = arith.muli %add3A_20, %mul3A_21 : i32
    %dma_start3A = arith.constant 0 : i32
    %dma_start3A_23 = tpu.memref_slice %arg7[%dma_start3A] : memref<32768xf32, #tpu.memory_space<vmem>> -> memref<2048xf32, #tpu.memory_space<vmem>>
    %dma_start3A_24 = tpu.memref_slice %arg4[%mul3A_22] : memref<1048576xf32, #tpu.memory_space<hbm>> -> memref<2048xf32, #tpu.memory_space<hbm>>
    %dma_start3A_25 = tpu.memref_slice %arg4[%mul3A_22] : memref<1048576xf32, #tpu.memory_space<hbm>> -> memref<2048xf32, #tpu.memory_space<hbm>>
    %dma_start3A_26 = arith.constant 0 : i32
    %dma_start3A_27 = tpu.memref_slice %arg7[%dma_start3A_26] : memref<32768xf32, #tpu.memory_space<vmem>> -> memref<2048xf32, #tpu.memory_space<vmem>>
    tpu.enqueue_dma source(%dma_start3A_27 : memref<2048xf32, #tpu.memory_space<vmem>>) target(%dma_start3A_25 : memref<2048xf32, #tpu.memory_space<hbm>>) target_semaphore(%arg8 : memref<!tpu.dma_semaphore, #tpu.memory_space<semaphore_mem>>)
    %while3A_28 = arith.constant 0 : i32
    %while3A_29 = arith.constant 64 : i32
    %while3A_30 = arith.constant 0 : i32
    %while3A_31 = arith.subi %while3A_29, %while3A_28 : i32
    %while3A_32 = arith.addi %while3A_28, %while3A_31 : i32
    %while3A_33 = arith.constant 1 : i32
    %while3A_34 = arith.divsi %while3A_31, %while3A_33 : i32
    %while3A_35 = arith.muli %while3A_34, %while3A_33 : i32
    %while3A_36 = arith.addi %while3A_28, %while3A_35 : i32
    %while3A_37 = arith.constant 1 : i32
    %while3A_38 = scf.for %while3A_498 = %while3A_28 to %while3A_36 step %while3A_37 iter_args(%while3A_499 = %while3A_30) -> (i32)  : i32 {
      %mul3A_500 = arith.constant 16 : i32
      %mul3A_501 = arith.muli %while3A_498, %mul3A_500 : i32
      %multiple_of3A = tpu.assume_multiple %mul3A_501, 16 : i32
      %add3A_502 = arith.constant 1024 : i32
      %add3A_503 = arith.addi %multiple_of3A, %add3A_502 : i32
      %get3A = arith.index_cast %add3A_503 : i32 to index
      %get3A_504 = tpu.vector_load %arg6[%get3A] {strides = array<i32>} : memref<16384xi32, #tpu.memory_space<vmem>>, vector<16xi32>,
      %add3A_505 = arith.constant 0 : i32
      %add3A_506 = vector.broadcast %add3A_505 : i32 to vector<16xi32>
      %add3A_507 = arith.addi %get3A_504, %add3A_506 : vector<16xi32>
      %gather3A = tpu.vector_load_idx %arg5[%add3A_507] : memref<2048xf32, #tpu.memory_space<vmem>>[vector<16xi32>], vector<16xf32>,
      %add3A_508 = arith.constant 2048 : i32
      %add3A_509 = arith.addi %multiple_of3A, %add3A_508 : i32
      %swap3A = arith.index_cast %add3A_509 : i32 to index
      %swap3A_510 = tpu.vector_load %arg7[%swap3A] {strides = array<i32>} : memref<32768xf32, #tpu.memory_space<vmem>>, vector<16xf32>,
      tpu.vector_store %arg7[%swap3A], %gather3A {strides = array<i32>} : memref<32768xf32, #tpu.memory_space<vmem>>, vector<16xf32>,
      %add3A_511 = arith.constant 1024 : i32
      %add3A_512 = vector.broadcast %add3A_511 : i32 to vector<16xi32>
      %add3A_513 = arith.addi %get3A_504, %add3A_512 : vector<16xi32>
      %gather3A_514 = tpu.vector_load_idx %arg5[%add3A_513] : memref<2048xf32, #tpu.memory_space<vmem>>[vector<16xi32>], vector<16xf32>,
      %add3A_515 = arith.constant 3072 : i32
      %add3A_516 = arith.addi %multiple_of3A, %add3A_515 : i32
      %swap3A_517 = arith.index_cast %add3A_516 : i32 to index
      %swap3A_518 = tpu.vector_load %arg7[%swap3A_517] {strides = array<i32>} : memref<32768xf32, #tpu.memory_space<vmem>>, vector<16xf32>,
      tpu.vector_store %arg7[%swap3A_517], %gather3A_514 {strides = array<i32>} : memref<32768xf32, #tpu.memory_space<vmem>>, vector<16xf32>,
      %while3A_519 = arith.constant 0 : i32
      scf.yield %while3A_519 : i32
    }
    %while3A_39 = arith.constant 1 : i32
    %while3A_40 = scf.for %while3A_498 = %while3A_36 to %while3A_32 step %while3A_39 iter_args(%while3A_499 = %while3A_38) -> (i32)  : i32 {
      %mul3A_500 = arith.constant 16 : i32
      %mul3A_501 = arith.muli %while3A_498, %mul3A_500 : i32
      %multiple_of3A = tpu.assume_multiple %mul3A_501, 16 : i32
      %add3A_502 = arith.constant 1024 : i32
      %add3A_503 = arith.addi %multiple_of3A, %add3A_502 : i32
      %get3A = arith.index_cast %add3A_503 : i32 to index
      %get3A_504 = tpu.vector_load %arg6[%get3A] {strides = array<i32>} : memref<16384xi32, #tpu.memory_space<vmem>>, vector<16xi32>,
      %add3A_505 = arith.constant 0 : i32
      %add3A_506 = vector.broadcast %add3A_505 : i32 to vector<16xi32>
      %add3A_507 = arith.addi %get3A_504, %add3A_506 : vector<16xi32>
      %gather3A = tpu.vector_load_idx %arg5[%add3A_507] : memref<2048xf32, #tpu.memory_space<vmem>>[vector<16xi32>], vector<16xf32>,
      %add3A_508 = arith.constant 2048 : i32
      %add3A_509 = arith.addi %multiple_of3A, %add3A_508 : i32
      %swap3A = arith.index_cast %add3A_509 : i32 to index
      %swap3A_510 = tpu.vector_load %arg7[%swap3A] {strides = array<i32>} : memref<32768xf32, #tpu.memory_space<vmem>>, vector<16xf32>,
      tpu.vector_store %arg7[%swap3A], %gather3A {strides = array<i32>} : memref<32768xf32, #tpu.memory_space<vmem>>, vector<16xf32>,
      %add3A_511 = arith.constant 1024 : i32
      %add3A_512 = vector.broadcast %add3A_511 : i32 to vector<16xi32>
      %add3A_513 = arith.addi %get3A_504, %add3A_512 : vector<16xi32>
      %gather3A_514 = tpu.vector_load_idx %arg5[%add3A_513] : memref<2048xf32, #tpu.memory_space<vmem>>[vector<16xi32>], vector<16xf32>,
      %add3A_515 = arith.constant 3072 : i32
      %add3A_516 = arith.addi %multiple_of3A, %add3A_515 : i32
      %swap3A_517 = arith.index_cast %add3A_516 : i32 to index
      %swap3A_518 = tpu.vector_load %arg7[%swap3A_517] {strides = array<i32>} : memref<32768xf32, #tpu.memory_space<vmem>>, vector<16xf32>,
      tpu.vector_store %arg7[%swap3A_517], %gather3A_514 {strides = array<i32>} : memref<32768xf32, #tpu.memory_space<vmem>>, vector<16xf32>,
      %while3A_519 = arith.constant 0 : i32
      scf.yield %while3A_519 : i32
    }
    %mul3A_41 = arith.constant 1 : i32
    %mul3A_42 = arith.constant 64 : i32
    %mul3A_43 = arith.muli %mul3A_41, %mul3A_42 : i32
    %add3A_44 = arith.addi %mul3A_43, %mul3A_2 : i32
    %mul3A_45 = arith.constant 1024 : i32
    %mul3A_46 = arith.muli %add3A_44, %mul3A_45 : i32
    %dma_start3A_47 = arith.constant 2048 : i32
    %dma_start3A_48 = tpu.memref_slice %arg7[%dma_start3A_47] : memref<32768xf32, #tpu.memory_space<vmem>> -> memref<2048xf32, #tpu.memory_space<vmem>>
    %dma_start3A_49 = tpu.memref_slice %arg4[%mul3A_46] : memref<1048576xf32, #tpu.memory_space<hbm>> -> memref<2048xf32, #tpu.memory_space<hbm>>
    %dma_start3A_50 = tpu.memref_slice %arg4[%mul3A_46] : memref<1048576xf32, #tpu.memory_space<hbm>> -> memref<2048xf32, #tpu.memory_space<hbm>>
    %dma_start3A_51 = arith.constant 2048 : i32
    %dma_start3A_52 = tpu.memref_slice %arg7[%dma_start3A_51] : memref<32768xf32, #tpu.memory_space<vmem>> -> memref<2048xf32, #tpu.memory_space<vmem>>
    tpu.enqueue_dma source(%dma_start3A_52 : memref<2048xf32, #tpu.memory_space<vmem>>) target(%dma_start3A_50 : memref<2048xf32, #tpu.memory_space<hbm>>) target_semaphore(%arg8 : memref<!tpu.dma_semaphore, #tpu.memory_space<semaphore_mem>>)
    %while3A_53 = arith.constant 0 : i32
    %while3A_54 = arith.constant 64 : i32
    %while3A_55 = arith.constant 0 : i32
    %while3A_56 = arith.subi %while3A_54, %while3A_53 : i32
    %while3A_57 = arith.addi %while3A_53, %while3A_56 : i32
    %while3A_58 = arith.constant 1 : i32
    %while3A_59 = arith.divsi %while3A_56, %while3A_58 : i32
    %while3A_60 = arith.muli %while3A_59, %while3A_58 : i32
    %while3A_61 = arith.addi %while3A_53, %while3A_60 : i32
    %while3A_62 = arith.constant 1 : i32
    %while3A_63 = scf.for %while3A_498 = %while3A_53 to %while3A_61 step %while3A_62 iter_args(%while3A_499 = %while3A_55) -> (i32)  : i32 {
      %mul3A_500 = arith.constant 16 : i32
      %mul3A_501 = arith.muli %while3A_498, %mul3A_500 : i32
      %multiple_of3A = tpu.assume_multiple %mul3A_501, 16 : i32
      %add3A_502 = arith.constant 2048 : i32
      %add3A_503 = arith.addi %multiple_of3A, %add3A_502 : i32
      %get3A = arith.index_cast %add3A_503 : i32 to index
      %get3A_504 = tpu.vector_load %arg6[%get3A] {strides = array<i32>} : memref<16384xi32, #tpu.memory_space<vmem>>, vector<16xi32>,
      %add3A_505 = arith.constant 0 : i32
      %add3A_506 = vector.broadcast %add3A_505 : i32 to vector<16xi32>
      %add3A_507 = arith.addi %get3A_504, %add3A_506 : vector<16xi32>
      %gather3A = tpu.vector_load_idx %arg5[%add3A_507] : memref<2048xf32, #tpu.memory_space<vmem>>[vector<16xi32>], vector<16xf32>,
      %add3A_508 = arith.constant 4096 : i32
      %add3A_509 = arith.addi %multiple_of3A, %add3A_508 : i32
      %swap3A = arith.index_cast %add3A_509 : i32 to index
      %swap3A_510 = tpu.vector_load %arg7[%swap3A] {strides = array<i32>} : memref<32768xf32, #tpu.memory_space<vmem>>, vector<16xf32>,
      tpu.vector_store %arg7[%swap3A], %gather3A {strides = array<i32>} : memref<32768xf32, #tpu.memory_space<vmem>>, vector<16xf32>,
      %add3A_511 = arith.constant 1024 : i32
      %add3A_512 = vector.broadcast %add3A_511 : i32 to vector<16xi32>
      %add3A_513 = arith.addi %get3A_504, %add3A_512 : vector<16xi32>
      %gather3A_514 = tpu.vector_load_idx %arg5[%add3A_513] : memref<2048xf32, #tpu.memory_space<vmem>>[vector<16xi32>], vector<16xf32>,
      %add3A_515 = arith.constant 5120 : i32
      %add3A_516 = arith.addi %multiple_of3A, %add3A_515 : i32
      %swap3A_517 = arith.index_cast %add3A_516 : i32 to index
      %swap3A_518 = tpu.vector_load %arg7[%swap3A_517] {strides = array<i32>} : memref<32768xf32, #tpu.memory_space<vmem>>, vector<16xf32>,
      tpu.vector_store %arg7[%swap3A_517], %gather3A_514 {strides = array<i32>} : memref<32768xf32, #tpu.memory_space<vmem>>, vector<16xf32>,
      %while3A_519 = arith.constant 0 : i32
      scf.yield %while3A_519 : i32
    }
    %while3A_64 = arith.constant 1 : i32
    %while3A_65 = scf.for %while3A_498 = %while3A_61 to %while3A_57 step %while3A_64 iter_args(%while3A_499 = %while3A_63) -> (i32)  : i32 {
      %mul3A_500 = arith.constant 16 : i32
      %mul3A_501 = arith.muli %while3A_498, %mul3A_500 : i32
      %multiple_of3A = tpu.assume_multiple %mul3A_501, 16 : i32
      %add3A_502 = arith.constant 2048 : i32
      %add3A_503 = arith.addi %multiple_of3A, %add3A_502 : i32
      %get3A = arith.index_cast %add3A_503 : i32 to index
      %get3A_504 = tpu.vector_load %arg6[%get3A] {strides = array<i32>} : memref<16384xi32, #tpu.memory_space<vmem>>, vector<16xi32>,
      %add3A_505 = arith.constant 0 : i32
      %add3A_506 = vector.broadcast %add3A_505 : i32 to vector<16xi32>
      %add3A_507 = arith.addi %get3A_504, %add3A_506 : vector<16xi32>
      %gather3A = tpu.vector_load_idx %arg5[%add3A_507] : memref<2048xf32, #tpu.memory_space<vmem>>[vector<16xi32>], vector<16xf32>,
      %add3A_508 = arith.constant 4096 : i32
      %add3A_509 = arith.addi %multiple_of3A, %add3A_508 : i32
      %swap3A = arith.index_cast %add3A_509 : i32 to index
      %swap3A_510 = tpu.vector_load %arg7[%swap3A] {strides = array<i32>} : memref<32768xf32, #tpu.memory_space<vmem>>, vector<16xf32>,
      tpu.vector_store %arg7[%swap3A], %gather3A {strides = array<i32>} : memref<32768xf32, #tpu.memory_space<vmem>>, vector<16xf32>,
      %add3A_511 = arith.constant 1024 : i32
      %add3A_512 = vector.broadcast %add3A_511 : i32 to vector<16xi32>
      %add3A_513 = arith.addi %get3A_504, %add3A_512 : vector<16xi32>
      %gather3A_514 = tpu.vector_load_idx %arg5[%add3A_513] : memref<2048xf32, #tpu.memory_space<vmem>>[vector<16xi32>], vector<16xf32>,
      %add3A_515 = arith.constant 5120 : i32
      %add3A_516 = arith.addi %multiple_of3A, %add3A_515 : i32
      %swap3A_517 = arith.index_cast %add3A_516 : i32 to index
      %swap3A_518 = tpu.vector_load %arg7[%swap3A_517] {strides = array<i32>} : memref<32768xf32, #tpu.memory_space<vmem>>, vector<16xf32>,
      tpu.vector_store %arg7[%swap3A_517], %gather3A_514 {strides = array<i32>} : memref<32768xf32, #tpu.memory_space<vmem>>, vector<16xf32>,
      %while3A_519 = arith.constant 0 : i32
      scf.yield %while3A_519 : i32
    }
    %mul3A_66 = arith.constant 2 : i32
    %mul3A_67 = arith.constant 64 : i32
    %mul3A_68 = arith.muli %mul3A_66, %mul3A_67 : i32
    %add3A_69 = arith.addi %mul3A_68, %mul3A_2 : i32
    %mul3A_70 = arith.constant 1024 : i32
    %mul3A_71 = arith.muli %add3A_69, %mul3A_70 : i32
    %dma_start3A_72 = arith.constant 4096 : i32
    %dma_start3A_73 = tpu.memref_slice %arg7[%dma_start3A_72] : memref<32768xf32, #tpu.memory_space<vmem>> -> memref<2048xf32, #tpu.memory_space<vmem>>
    %dma_start3A_74 = tpu.memref_slice %arg4[%mul3A_71] : memref<1048576xf32, #tpu.memory_space<hbm>> -> memref<2048xf32, #tpu.memory_space<hbm>>
    %dma_start3A_75 = tpu.memref_slice %arg4[%mul3A_71] : memref<1048576xf32, #tpu.memory_space<hbm>> -> memref<2048xf32, #tpu.memory_space<hbm>>
    %dma_start3A_76 = arith.constant 4096 : i32
    %dma_start3A_77 = tpu.memref_slice %arg7[%dma_start3A_76] : memref<32768xf32, #tpu.memory_space<vmem>> -> memref<2048xf32, #tpu.memory_space<vmem>>
    tpu.enqueue_dma source(%dma_start3A_77 : memref<2048xf32, #tpu.memory_space<vmem>>) target(%dma_start3A_75 : memref<2048xf32, #tpu.memory_space<hbm>>) target_semaphore(%arg8 : memref<!tpu.dma_semaphore, #tpu.memory_space<semaphore_mem>>)
    %while3A_78 = arith.constant 0 : i32
    %while3A_79 = arith.constant 64 : i32
    %while3A_80 = arith.constant 0 : i32
    %while3A_81 = arith.subi %while3A_79, %while3A_78 : i32
    %while3A_82 = arith.addi %while3A_78, %while3A_81 : i32
    %while3A_83 = arith.constant 1 : i32
    %while3A_84 = arith.divsi %while3A_81, %while3A_83 : i32
    %while3A_85 = arith.muli %while3A_84, %while3A_83 : i32
    %while3A_86 = arith.addi %while3A_78, %while3A_85 : i32
    %while3A_87 = arith.constant 1 : i32
    %while3A_88 = scf.for %while3A_498 = %while3A_78 to %while3A_86 step %while3A_87 iter_args(%while3A_499 = %while3A_80) -> (i32)  : i32 {
      %mul3A_500 = arith.constant 16 : i32
      %mul3A_501 = arith.muli %while3A_498, %mul3A_500 : i32
      %multiple_of3A = tpu.assume_multiple %mul3A_501, 16 : i32
      %add3A_502 = arith.constant 3072 : i32
      %add3A_503 = arith.addi %multiple_of3A, %add3A_502 : i32
      %get3A = arith.index_cast %add3A_503 : i32 to index
      %get3A_504 = tpu.vector_load %arg6[%get3A] {strides = array<i32>} : memref<16384xi32, #tpu.memory_space<vmem>>, vector<16xi32>,
      %add3A_505 = arith.constant 0 : i32
      %add3A_506 = vector.broadcast %add3A_505 : i32 to vector<16xi32>
      %add3A_507 = arith.addi %get3A_504, %add3A_506 : vector<16xi32>
      %gather3A = tpu.vector_load_idx %arg5[%add3A_507] : memref<2048xf32, #tpu.memory_space<vmem>>[vector<16xi32>], vector<16xf32>,
      %add3A_508 = arith.constant 6144 : i32
      %add3A_509 = arith.addi %multiple_of3A, %add3A_508 : i32
      %swap3A = arith.index_cast %add3A_509 : i32 to index
      %swap3A_510 = tpu.vector_load %arg7[%swap3A] {strides = array<i32>} : memref<32768xf32, #tpu.memory_space<vmem>>, vector<16xf32>,
      tpu.vector_store %arg7[%swap3A], %gather3A {strides = array<i32>} : memref<32768xf32, #tpu.memory_space<vmem>>, vector<16xf32>,
      %add3A_511 = arith.constant 1024 : i32
      %add3A_512 = vector.broadcast %add3A_511 : i32 to vector<16xi32>
      %add3A_513 = arith.addi %get3A_504, %add3A_512 : vector<16xi32>
      %gather3A_514 = tpu.vector_load_idx %arg5[%add3A_513] : memref<2048xf32, #tpu.memory_space<vmem>>[vector<16xi32>], vector<16xf32>,
      %add3A_515 = arith.constant 7168 : i32
      %add3A_516 = arith.addi %multiple_of3A, %add3A_515 : i32
      %swap3A_517 = arith.index_cast %add3A_516 : i32 to index
      %swap3A_518 = tpu.vector_load %arg7[%swap3A_517] {strides = array<i32>} : memref<32768xf32, #tpu.memory_space<vmem>>, vector<16xf32>,
      tpu.vector_store %arg7[%swap3A_517], %gather3A_514 {strides = array<i32>} : memref<32768xf32, #tpu.memory_space<vmem>>, vector<16xf32>,
      %while3A_519 = arith.constant 0 : i32
      scf.yield %while3A_519 : i32
    }
    %while3A_89 = arith.constant 1 : i32
    %while3A_90 = scf.for %while3A_498 = %while3A_86 to %while3A_82 step %while3A_89 iter_args(%while3A_499 = %while3A_88) -> (i32)  : i32 {
      %mul3A_500 = arith.constant 16 : i32
      %mul3A_501 = arith.muli %while3A_498, %mul3A_500 : i32
      %multiple_of3A = tpu.assume_multiple %mul3A_501, 16 : i32
      %add3A_502 = arith.constant 3072 : i32
      %add3A_503 = arith.addi %multiple_of3A, %add3A_502 : i32
      %get3A = arith.index_cast %add3A_503 : i32 to index
      %get3A_504 = tpu.vector_load %arg6[%get3A] {strides = array<i32>} : memref<16384xi32, #tpu.memory_space<vmem>>, vector<16xi32>,
      %add3A_505 = arith.constant 0 : i32
      %add3A_506 = vector.broadcast %add3A_505 : i32 to vector<16xi32>
      %add3A_507 = arith.addi %get3A_504, %add3A_506 : vector<16xi32>
      %gather3A = tpu.vector_load_idx %arg5[%add3A_507] : memref<2048xf32, #tpu.memory_space<vmem>>[vector<16xi32>], vector<16xf32>,
      %add3A_508 = arith.constant 6144 : i32
      %add3A_509 = arith.addi %multiple_of3A, %add3A_508 : i32
      %swap3A = arith.index_cast %add3A_509 : i32 to index
      %swap3A_510 = tpu.vector_load %arg7[%swap3A] {strides = array<i32>} : memref<32768xf32, #tpu.memory_space<vmem>>, vector<16xf32>,
      tpu.vector_store %arg7[%swap3A], %gather3A {strides = array<i32>} : memref<32768xf32, #tpu.memory_space<vmem>>, vector<16xf32>,
      %add3A_511 = arith.constant 1024 : i32
      %add3A_512 = vector.broadcast %add3A_511 : i32 to vector<16xi32>
      %add3A_513 = arith.addi %get3A_504, %add3A_512 : vector<16xi32>
      %gather3A_514 = tpu.vector_load_idx %arg5[%add3A_513] : memref<2048xf32, #tpu.memory_space<vmem>>[vector<16xi32>], vector<16xf32>,
      %add3A_515 = arith.constant 7168 : i32
      %add3A_516 = arith.addi %multiple_of3A, %add3A_515 : i32
      %swap3A_517 = arith.index_cast %add3A_516 : i32 to index
      %swap3A_518 = tpu.vector_load %arg7[%swap3A_517] {strides = array<i32>} : memref<32768xf32, #tpu.memory_space<vmem>>, vector<16xf32>,
      tpu.vector_store %arg7[%swap3A_517], %gather3A_514 {strides = array<i32>} : memref<32768xf32, #tpu.memory_space<vmem>>, vector<16xf32>,
      %while3A_519 = arith.constant 0 : i32
      scf.yield %while3A_519 : i32
    }
    %mul3A_91 = arith.constant 3 : i32
    %mul3A_92 = arith.constant 64 : i32
    %mul3A_93 = arith.muli %mul3A_91, %mul3A_92 : i32
    %add3A_94 = arith.addi %mul3A_93, %mul3A_2 : i32
    %mul3A_95 = arith.constant 1024 : i32
    %mul3A_96 = arith.muli %add3A_94, %mul3A_95 : i32
    %dma_start3A_97 = arith.constant 6144 : i32
    %dma_start3A_98 = tpu.memref_slice %arg7[%dma_start3A_97] : memref<32768xf32, #tpu.memory_space<vmem>> -> memref<2048xf32, #tpu.memory_space<vmem>>
    %dma_start3A_99 = tpu.memref_slice %arg4[%mul3A_96] : memref<1048576xf32, #tpu.memory_space<hbm>> -> memref<2048xf32, #tpu.memory_space<hbm>>
    %dma_start3A_100 = tpu.memref_slice %arg4[%mul3A_96] : memref<1048576xf32, #tpu.memory_space<hbm>> -> memref<2048xf32, #tpu.memory_space<hbm>>
    %dma_start3A_101 = arith.constant 6144 : i32
    %dma_start3A_102 = tpu.memref_slice %arg7[%dma_start3A_101] : memref<32768xf32, #tpu.memory_space<vmem>> -> memref<2048xf32, #tpu.memory_space<vmem>>
    tpu.enqueue_dma source(%dma_start3A_102 : memref<2048xf32, #tpu.memory_space<vmem>>) target(%dma_start3A_100 : memref<2048xf32, #tpu.memory_space<hbm>>) target_semaphore(%arg8 : memref<!tpu.dma_semaphore, #tpu.memory_space<semaphore_mem>>)
    %while3A_103 = arith.constant 0 : i32
    %while3A_104 = arith.constant 64 : i32
    %while3A_105 = arith.constant 0 : i32
    %while3A_106 = arith.subi %while3A_104, %while3A_103 : i32
    %while3A_107 = arith.addi %while3A_103, %while3A_106 : i32
    %while3A_108 = arith.constant 1 : i32
    %while3A_109 = arith.divsi %while3A_106, %while3A_108 : i32
    %while3A_110 = arith.muli %while3A_109, %while3A_108 : i32
    %while3A_111 = arith.addi %while3A_103, %while3A_110 : i32
    %while3A_112 = arith.constant 1 : i32
    %while3A_113 = scf.for %while3A_498 = %while3A_103 to %while3A_111 step %while3A_112 iter_args(%while3A_499 = %while3A_105) -> (i32)  : i32 {
      %mul3A_500 = arith.constant 16 : i32
      %mul3A_501 = arith.muli %while3A_498, %mul3A_500 : i32
      %multiple_of3A = tpu.assume_multiple %mul3A_501, 16 : i32
      %add3A_502 = arith.constant 4096 : i32
      %add3A_503 = arith.addi %multiple_of3A, %add3A_502 : i32
      %get3A = arith.index_cast %add3A_503 : i32 to index
      %get3A_504 = tpu.vector_load %arg6[%get3A] {strides = array<i32>} : memref<16384xi32, #tpu.memory_space<vmem>>, vector<16xi32>,
      %add3A_505 = arith.constant 0 : i32
      %add3A_506 = vector.broadcast %add3A_505 : i32 to vector<16xi32>
      %add3A_507 = arith.addi %get3A_504, %add3A_506 : vector<16xi32>
      %gather3A = tpu.vector_load_idx %arg5[%add3A_507] : memref<2048xf32, #tpu.memory_space<vmem>>[vector<16xi32>], vector<16xf32>,
      %add3A_508 = arith.constant 8192 : i32
      %add3A_509 = arith.addi %multiple_of3A, %add3A_508 : i32
      %swap3A = arith.index_cast %add3A_509 : i32 to index
      %swap3A_510 = tpu.vector_load %arg7[%swap3A] {strides = array<i32>} : memref<32768xf32, #tpu.memory_space<vmem>>, vector<16xf32>,
      tpu.vector_store %arg7[%swap3A], %gather3A {strides = array<i32>} : memref<32768xf32, #tpu.memory_space<vmem>>, vector<16xf32>,
      %add3A_511 = arith.constant 1024 : i32
      %add3A_512 = vector.broadcast %add3A_511 : i32 to vector<16xi32>
      %add3A_513 = arith.addi %get3A_504, %add3A_512 : vector<16xi32>
      %gather3A_514 = tpu.vector_load_idx %arg5[%add3A_513] : memref<2048xf32, #tpu.memory_space<vmem>>[vector<16xi32>], vector<16xf32>,
      %add3A_515 = arith.constant 9216 : i32
      %add3A_516 = arith.addi %multiple_of3A, %add3A_515 : i32
      %swap3A_517 = arith.index_cast %add3A_516 : i32 to index
      %swap3A_518 = tpu.vector_load %arg7[%swap3A_517] {strides = array<i32>} : memref<32768xf32, #tpu.memory_space<vmem>>, vector<16xf32>,
      tpu.vector_store %arg7[%swap3A_517], %gather3A_514 {strides = array<i32>} : memref<32768xf32, #tpu.memory_space<vmem>>, vector<16xf32>,
      %while3A_519 = arith.constant 0 : i32
      scf.yield %while3A_519 : i32
    }
    %while3A_114 = arith.constant 1 : i32
    %while3A_115 = scf.for %while3A_498 = %while3A_111 to %while3A_107 step %while3A_114 iter_args(%while3A_499 = %while3A_113) -> (i32)  : i32 {
      %mul3A_500 = arith.constant 16 : i32
      %mul3A_501 = arith.muli %while3A_498, %mul3A_500 : i32
      %multiple_of3A = tpu.assume_multiple %mul3A_501, 16 : i32
      %add3A_502 = arith.constant 4096 : i32
      %add3A_503 = arith.addi %multiple_of3A, %add3A_502 : i32
      %get3A = arith.index_cast %add3A_503 : i32 to index
      %get3A_504 = tpu.vector_load %arg6[%get3A] {strides = array<i32>} : memref<16384xi32, #tpu.memory_space<vmem>>, vector<16xi32>,
      %add3A_505 = arith.constant 0 : i32
      %add3A_506 = vector.broadcast %add3A_505 : i32 to vector<16xi32>
      %add3A_507 = arith.addi %get3A_504, %add3A_506 : vector<16xi32>
      %gather3A = tpu.vector_load_idx %arg5[%add3A_507] : memref<2048xf32, #tpu.memory_space<vmem>>[vector<16xi32>], vector<16xf32>,
      %add3A_508 = arith.constant 8192 : i32
      %add3A_509 = arith.addi %multiple_of3A, %add3A_508 : i32
      %swap3A = arith.index_cast %add3A_509 : i32 to index
      %swap3A_510 = tpu.vector_load %arg7[%swap3A] {strides = array<i32>} : memref<32768xf32, #tpu.memory_space<vmem>>, vector<16xf32>,
      tpu.vector_store %arg7[%swap3A], %gather3A {strides = array<i32>} : memref<32768xf32, #tpu.memory_space<vmem>>, vector<16xf32>,
      %add3A_511 = arith.constant 1024 : i32
      %add3A_512 = vector.broadcast %add3A_511 : i32 to vector<16xi32>
      %add3A_513 = arith.addi %get3A_504, %add3A_512 : vector<16xi32>
      %gather3A_514 = tpu.vector_load_idx %arg5[%add3A_513] : memref<2048xf32, #tpu.memory_space<vmem>>[vector<16xi32>], vector<16xf32>,
      %add3A_515 = arith.constant 9216 : i32
      %add3A_516 = arith.addi %multiple_of3A, %add3A_515 : i32
      %swap3A_517 = arith.index_cast %add3A_516 : i32 to index
      %swap3A_518 = tpu.vector_load %arg7[%swap3A_517] {strides = array<i32>} : memref<32768xf32, #tpu.memory_space<vmem>>, vector<16xf32>,
      tpu.vector_store %arg7[%swap3A_517], %gather3A_514 {strides = array<i32>} : memref<32768xf32, #tpu.memory_space<vmem>>, vector<16xf32>,
      %while3A_519 = arith.constant 0 : i32
      scf.yield %while3A_519 : i32
    }
    %mul3A_116 = arith.constant 4 : i32
    %mul3A_117 = arith.constant 64 : i32
    %mul3A_118 = arith.muli %mul3A_116, %mul3A_117 : i32
    %add3A_119 = arith.addi %mul3A_118, %mul3A_2 : i32
    %mul3A_120 = arith.constant 1024 : i32
    %mul3A_121 = arith.muli %add3A_119, %mul3A_120 : i32
    %dma_start3A_122 = arith.constant 8192 : i32
    %dma_start3A_123 = tpu.memref_slice %arg7[%dma_start3A_122] : memref<32768xf32, #tpu.memory_space<vmem>> -> memref<2048xf32, #tpu.memory_space<vmem>>
    %dma_start3A_124 = tpu.memref_slice %arg4[%mul3A_121] : memref<1048576xf32, #tpu.memory_space<hbm>> -> memref<2048xf32, #tpu.memory_space<hbm>>
    %dma_start3A_125 = tpu.memref_slice %arg4[%mul3A_121] : memref<1048576xf32, #tpu.memory_space<hbm>> -> memref<2048xf32, #tpu.memory_space<hbm>>
    %dma_start3A_126 = arith.constant 8192 : i32
    %dma_start3A_127 = tpu.memref_slice %arg7[%dma_start3A_126] : memref<32768xf32, #tpu.memory_space<vmem>> -> memref<2048xf32, #tpu.memory_space<vmem>>
    tpu.enqueue_dma source(%dma_start3A_127 : memref<2048xf32, #tpu.memory_space<vmem>>) target(%dma_start3A_125 : memref<2048xf32, #tpu.memory_space<hbm>>) target_semaphore(%arg8 : memref<!tpu.dma_semaphore, #tpu.memory_space<semaphore_mem>>)
    %while3A_128 = arith.constant 0 : i32
    %while3A_129 = arith.constant 64 : i32
    %while3A_130 = arith.constant 0 : i32
    %while3A_131 = arith.subi %while3A_129, %while3A_128 : i32
    %while3A_132 = arith.addi %while3A_128, %while3A_131 : i32
    %while3A_133 = arith.constant 1 : i32
    %while3A_134 = arith.divsi %while3A_131, %while3A_133 : i32
    %while3A_135 = arith.muli %while3A_134, %while3A_133 : i32
    %while3A_136 = arith.addi %while3A_128, %while3A_135 : i32
    %while3A_137 = arith.constant 1 : i32
    %while3A_138 = scf.for %while3A_498 = %while3A_128 to %while3A_136 step %while3A_137 iter_args(%while3A_499 = %while3A_130) -> (i32)  : i32 {
      %mul3A_500 = arith.constant 16 : i32
      %mul3A_501 = arith.muli %while3A_498, %mul3A_500 : i32
      %multiple_of3A = tpu.assume_multiple %mul3A_501, 16 : i32
      %add3A_502 = arith.constant 5120 : i32
      %add3A_503 = arith.addi %multiple_of3A, %add3A_502 : i32
      %get3A = arith.index_cast %add3A_503 : i32 to index
      %get3A_504 = tpu.vector_load %arg6[%get3A] {strides = array<i32>} : memref<16384xi32, #tpu.memory_space<vmem>>, vector<16xi32>,
      %add3A_505 = arith.constant 0 : i32
      %add3A_506 = vector.broadcast %add3A_505 : i32 to vector<16xi32>
      %add3A_507 = arith.addi %get3A_504, %add3A_506 : vector<16xi32>
      %gather3A = tpu.vector_load_idx %arg5[%add3A_507] : memref<2048xf32, #tpu.memory_space<vmem>>[vector<16xi32>], vector<16xf32>,
      %add3A_508 = arith.constant 10240 : i32
      %add3A_509 = arith.addi %multiple_of3A, %add3A_508 : i32
      %swap3A = arith.index_cast %add3A_509 : i32 to index
      %swap3A_510 = tpu.vector_load %arg7[%swap3A] {strides = array<i32>} : memref<32768xf32, #tpu.memory_space<vmem>>, vector<16xf32>,
      tpu.vector_store %arg7[%swap3A], %gather3A {strides = array<i32>} : memref<32768xf32, #tpu.memory_space<vmem>>, vector<16xf32>,
      %add3A_511 = arith.constant 1024 : i32
      %add3A_512 = vector.broadcast %add3A_511 : i32 to vector<16xi32>
      %add3A_513 = arith.addi %get3A_504, %add3A_512 : vector<16xi32>
      %gather3A_514 = tpu.vector_load_idx %arg5[%add3A_513] : memref<2048xf32, #tpu.memory_space<vmem>>[vector<16xi32>], vector<16xf32>,
      %add3A_515 = arith.constant 11264 : i32
      %add3A_516 = arith.addi %multiple_of3A, %add3A_515 : i32
      %swap3A_517 = arith.index_cast %add3A_516 : i32 to index
      %swap3A_518 = tpu.vector_load %arg7[%swap3A_517] {strides = array<i32>} : memref<32768xf32, #tpu.memory_space<vmem>>, vector<16xf32>,
      tpu.vector_store %arg7[%swap3A_517], %gather3A_514 {strides = array<i32>} : memref<32768xf32, #tpu.memory_space<vmem>>, vector<16xf32>,
      %while3A_519 = arith.constant 0 : i32
      scf.yield %while3A_519 : i32
    }
    %while3A_139 = arith.constant 1 : i32
    %while3A_140 = scf.for %while3A_498 = %while3A_136 to %while3A_132 step %while3A_139 iter_args(%while3A_499 = %while3A_138) -> (i32)  : i32 {
      %mul3A_500 = arith.constant 16 : i32
      %mul3A_501 = arith.muli %while3A_498, %mul3A_500 : i32
      %multiple_of3A = tpu.assume_multiple %mul3A_501, 16 : i32
      %add3A_502 = arith.constant 5120 : i32
      %add3A_503 = arith.addi %multiple_of3A, %add3A_502 : i32
      %get3A = arith.index_cast %add3A_503 : i32 to index
      %get3A_504 = tpu.vector_load %arg6[%get3A] {strides = array<i32>} : memref<16384xi32, #tpu.memory_space<vmem>>, vector<16xi32>,
      %add3A_505 = arith.constant 0 : i32
      %add3A_506 = vector.broadcast %add3A_505 : i32 to vector<16xi32>
      %add3A_507 = arith.addi %get3A_504, %add3A_506 : vector<16xi32>
      %gather3A = tpu.vector_load_idx %arg5[%add3A_507] : memref<2048xf32, #tpu.memory_space<vmem>>[vector<16xi32>], vector<16xf32>,
      %add3A_508 = arith.constant 10240 : i32
      %add3A_509 = arith.addi %multiple_of3A, %add3A_508 : i32
      %swap3A = arith.index_cast %add3A_509 : i32 to index
      %swap3A_510 = tpu.vector_load %arg7[%swap3A] {strides = array<i32>} : memref<32768xf32, #tpu.memory_space<vmem>>, vector<16xf32>,
      tpu.vector_store %arg7[%swap3A], %gather3A {strides = array<i32>} : memref<32768xf32, #tpu.memory_space<vmem>>, vector<16xf32>,
      %add3A_511 = arith.constant 1024 : i32
      %add3A_512 = vector.broadcast %add3A_511 : i32 to vector<16xi32>
      %add3A_513 = arith.addi %get3A_504, %add3A_512 : vector<16xi32>
      %gather3A_514 = tpu.vector_load_idx %arg5[%add3A_513] : memref<2048xf32, #tpu.memory_space<vmem>>[vector<16xi32>], vector<16xf32>,
      %add3A_515 = arith.constant 11264 : i32
      %add3A_516 = arith.addi %multiple_of3A, %add3A_515 : i32
      %swap3A_517 = arith.index_cast %add3A_516 : i32 to index
      %swap3A_518 = tpu.vector_load %arg7[%swap3A_517] {strides = array<i32>} : memref<32768xf32, #tpu.memory_space<vmem>>, vector<16xf32>,
      tpu.vector_store %arg7[%swap3A_517], %gather3A_514 {strides = array<i32>} : memref<32768xf32, #tpu.memory_space<vmem>>, vector<16xf32>,
      %while3A_519 = arith.constant 0 : i32
      scf.yield %while3A_519 : i32
    }
    %mul3A_141 = arith.constant 5 : i32
    %mul3A_142 = arith.constant 64 : i32
    %mul3A_143 = arith.muli %mul3A_141, %mul3A_142 : i32
    %add3A_144 = arith.addi %mul3A_143, %mul3A_2 : i32
    %mul3A_145 = arith.constant 1024 : i32
    %mul3A_146 = arith.muli %add3A_144, %mul3A_145 : i32
    %dma_start3A_147 = arith.constant 10240 : i32
    %dma_start3A_148 = tpu.memref_slice %arg7[%dma_start3A_147] : memref<32768xf32, #tpu.memory_space<vmem>> -> memref<2048xf32, #tpu.memory_space<vmem>>
    %dma_start3A_149 = tpu.memref_slice %arg4[%mul3A_146] : memref<1048576xf32, #tpu.memory_space<hbm>> -> memref<2048xf32, #tpu.memory_space<hbm>>
    %dma_start3A_150 = tpu.memref_slice %arg4[%mul3A_146] : memref<1048576xf32, #tpu.memory_space<hbm>> -> memref<2048xf32, #tpu.memory_space<hbm>>
    %dma_start3A_151 = arith.constant 10240 : i32
    %dma_start3A_152 = tpu.memref_slice %arg7[%dma_start3A_151] : memref<32768xf32, #tpu.memory_space<vmem>> -> memref<2048xf32, #tpu.memory_space<vmem>>
    tpu.enqueue_dma source(%dma_start3A_152 : memref<2048xf32, #tpu.memory_space<vmem>>) target(%dma_start3A_150 : memref<2048xf32, #tpu.memory_space<hbm>>) target_semaphore(%arg8 : memref<!tpu.dma_semaphore, #tpu.memory_space<semaphore_mem>>)
    %while3A_153 = arith.constant 0 : i32
    %while3A_154 = arith.constant 64 : i32
    %while3A_155 = arith.constant 0 : i32
    %while3A_156 = arith.subi %while3A_154, %while3A_153 : i32
    %while3A_157 = arith.addi %while3A_153, %while3A_156 : i32
    %while3A_158 = arith.constant 1 : i32
    %while3A_159 = arith.divsi %while3A_156, %while3A_158 : i32
    %while3A_160 = arith.muli %while3A_159, %while3A_158 : i32
    %while3A_161 = arith.addi %while3A_153, %while3A_160 : i32
    %while3A_162 = arith.constant 1 : i32
    %while3A_163 = scf.for %while3A_498 = %while3A_153 to %while3A_161 step %while3A_162 iter_args(%while3A_499 = %while3A_155) -> (i32)  : i32 {
      %mul3A_500 = arith.constant 16 : i32
      %mul3A_501 = arith.muli %while3A_498, %mul3A_500 : i32
      %multiple_of3A = tpu.assume_multiple %mul3A_501, 16 : i32
      %add3A_502 = arith.constant 6144 : i32
      %add3A_503 = arith.addi %multiple_of3A, %add3A_502 : i32
      %get3A = arith.index_cast %add3A_503 : i32 to index
      %get3A_504 = tpu.vector_load %arg6[%get3A] {strides = array<i32>} : memref<16384xi32, #tpu.memory_space<vmem>>, vector<16xi32>,
      %add3A_505 = arith.constant 0 : i32
      %add3A_506 = vector.broadcast %add3A_505 : i32 to vector<16xi32>
      %add3A_507 = arith.addi %get3A_504, %add3A_506 : vector<16xi32>
      %gather3A = tpu.vector_load_idx %arg5[%add3A_507] : memref<2048xf32, #tpu.memory_space<vmem>>[vector<16xi32>], vector<16xf32>,
      %add3A_508 = arith.constant 12288 : i32
      %add3A_509 = arith.addi %multiple_of3A, %add3A_508 : i32
      %swap3A = arith.index_cast %add3A_509 : i32 to index
      %swap3A_510 = tpu.vector_load %arg7[%swap3A] {strides = array<i32>} : memref<32768xf32, #tpu.memory_space<vmem>>, vector<16xf32>,
      tpu.vector_store %arg7[%swap3A], %gather3A {strides = array<i32>} : memref<32768xf32, #tpu.memory_space<vmem>>, vector<16xf32>,
      %add3A_511 = arith.constant 1024 : i32
      %add3A_512 = vector.broadcast %add3A_511 : i32 to vector<16xi32>
      %add3A_513 = arith.addi %get3A_504, %add3A_512 : vector<16xi32>
      %gather3A_514 = tpu.vector_load_idx %arg5[%add3A_513] : memref<2048xf32, #tpu.memory_space<vmem>>[vector<16xi32>], vector<16xf32>,
      %add3A_515 = arith.constant 13312 : i32
      %add3A_516 = arith.addi %multiple_of3A, %add3A_515 : i32
      %swap3A_517 = arith.index_cast %add3A_516 : i32 to index
      %swap3A_518 = tpu.vector_load %arg7[%swap3A_517] {strides = array<i32>} : memref<32768xf32, #tpu.memory_space<vmem>>, vector<16xf32>,
      tpu.vector_store %arg7[%swap3A_517], %gather3A_514 {strides = array<i32>} : memref<32768xf32, #tpu.memory_space<vmem>>, vector<16xf32>,
      %while3A_519 = arith.constant 0 : i32
      scf.yield %while3A_519 : i32
    }
    %while3A_164 = arith.constant 1 : i32
    %while3A_165 = scf.for %while3A_498 = %while3A_161 to %while3A_157 step %while3A_164 iter_args(%while3A_499 = %while3A_163) -> (i32)  : i32 {
      %mul3A_500 = arith.constant 16 : i32
      %mul3A_501 = arith.muli %while3A_498, %mul3A_500 : i32
      %multiple_of3A = tpu.assume_multiple %mul3A_501, 16 : i32
      %add3A_502 = arith.constant 6144 : i32
      %add3A_503 = arith.addi %multiple_of3A, %add3A_502 : i32
      %get3A = arith.index_cast %add3A_503 : i32 to index
      %get3A_504 = tpu.vector_load %arg6[%get3A] {strides = array<i32>} : memref<16384xi32, #tpu.memory_space<vmem>>, vector<16xi32>,
      %add3A_505 = arith.constant 0 : i32
      %add3A_506 = vector.broadcast %add3A_505 : i32 to vector<16xi32>
      %add3A_507 = arith.addi %get3A_504, %add3A_506 : vector<16xi32>
      %gather3A = tpu.vector_load_idx %arg5[%add3A_507] : memref<2048xf32, #tpu.memory_space<vmem>>[vector<16xi32>], vector<16xf32>,
      %add3A_508 = arith.constant 12288 : i32
      %add3A_509 = arith.addi %multiple_of3A, %add3A_508 : i32
      %swap3A = arith.index_cast %add3A_509 : i32 to index
      %swap3A_510 = tpu.vector_load %arg7[%swap3A] {strides = array<i32>} : memref<32768xf32, #tpu.memory_space<vmem>>, vector<16xf32>,
      tpu.vector_store %arg7[%swap3A], %gather3A {strides = array<i32>} : memref<32768xf32, #tpu.memory_space<vmem>>, vector<16xf32>,
      %add3A_511 = arith.constant 1024 : i32
      %add3A_512 = vector.broadcast %add3A_511 : i32 to vector<16xi32>
      %add3A_513 = arith.addi %get3A_504, %add3A_512 : vector<16xi32>
      %gather3A_514 = tpu.vector_load_idx %arg5[%add3A_513] : memref<2048xf32, #tpu.memory_space<vmem>>[vector<16xi32>], vector<16xf32>,
      %add3A_515 = arith.constant 13312 : i32
      %add3A_516 = arith.addi %multiple_of3A, %add3A_515 : i32
      %swap3A_517 = arith.index_cast %add3A_516 : i32 to index
      %swap3A_518 = tpu.vector_load %arg7[%swap3A_517] {strides = array<i32>} : memref<32768xf32, #tpu.memory_space<vmem>>, vector<16xf32>,
      tpu.vector_store %arg7[%swap3A_517], %gather3A_514 {strides = array<i32>} : memref<32768xf32, #tpu.memory_space<vmem>>, vector<16xf32>,
      %while3A_519 = arith.constant 0 : i32
      scf.yield %while3A_519 : i32
    }
    %mul3A_166 = arith.constant 6 : i32
    %mul3A_167 = arith.constant 64 : i32
    %mul3A_168 = arith.muli %mul3A_166, %mul3A_167 : i32
    %add3A_169 = arith.addi %mul3A_168, %mul3A_2 : i32
    %mul3A_170 = arith.constant 1024 : i32
    %mul3A_171 = arith.muli %add3A_169, %mul3A_170 : i32
    %dma_start3A_172 = arith.constant 12288 : i32
    %dma_start3A_173 = tpu.memref_slice %arg7[%dma_start3A_172] : memref<32768xf32, #tpu.memory_space<vmem>> -> memref<2048xf32, #tpu.memory_space<vmem>>
    %dma_start3A_174 = tpu.memref_slice %arg4[%mul3A_171] : memref<1048576xf32, #tpu.memory_space<hbm>> -> memref<2048xf32, #tpu.memory_space<hbm>>
    %dma_start3A_175 = tpu.memref_slice %arg4[%mul3A_171] : memref<1048576xf32, #tpu.memory_space<hbm>> -> memref<2048xf32, #tpu.memory_space<hbm>>
    %dma_start3A_176 = arith.constant 12288 : i32
    %dma_start3A_177 = tpu.memref_slice %arg7[%dma_start3A_176] : memref<32768xf32, #tpu.memory_space<vmem>> -> memref<2048xf32, #tpu.memory_space<vmem>>
    tpu.enqueue_dma source(%dma_start3A_177 : memref<2048xf32, #tpu.memory_space<vmem>>) target(%dma_start3A_175 : memref<2048xf32, #tpu.memory_space<hbm>>) target_semaphore(%arg8 : memref<!tpu.dma_semaphore, #tpu.memory_space<semaphore_mem>>)
    %while3A_178 = arith.constant 0 : i32
    %while3A_179 = arith.constant 64 : i32
    %while3A_180 = arith.constant 0 : i32
    %while3A_181 = arith.subi %while3A_179, %while3A_178 : i32
    %while3A_182 = arith.addi %while3A_178, %while3A_181 : i32
    %while3A_183 = arith.constant 1 : i32
    %while3A_184 = arith.divsi %while3A_181, %while3A_183 : i32
    %while3A_185 = arith.muli %while3A_184, %while3A_183 : i32
    %while3A_186 = arith.addi %while3A_178, %while3A_185 : i32
    %while3A_187 = arith.constant 1 : i32
    %while3A_188 = scf.for %while3A_498 = %while3A_178 to %while3A_186 step %while3A_187 iter_args(%while3A_499 = %while3A_180) -> (i32)  : i32 {
      %mul3A_500 = arith.constant 16 : i32
      %mul3A_501 = arith.muli %while3A_498, %mul3A_500 : i32
      %multiple_of3A = tpu.assume_multiple %mul3A_501, 16 : i32
      %add3A_502 = arith.constant 7168 : i32
      %add3A_503 = arith.addi %multiple_of3A, %add3A_502 : i32
      %get3A = arith.index_cast %add3A_503 : i32 to index
      %get3A_504 = tpu.vector_load %arg6[%get3A] {strides = array<i32>} : memref<16384xi32, #tpu.memory_space<vmem>>, vector<16xi32>,
      %add3A_505 = arith.constant 0 : i32
      %add3A_506 = vector.broadcast %add3A_505 : i32 to vector<16xi32>
      %add3A_507 = arith.addi %get3A_504, %add3A_506 : vector<16xi32>
      %gather3A = tpu.vector_load_idx %arg5[%add3A_507] : memref<2048xf32, #tpu.memory_space<vmem>>[vector<16xi32>], vector<16xf32>,
      %add3A_508 = arith.constant 14336 : i32
      %add3A_509 = arith.addi %multiple_of3A, %add3A_508 : i32
      %swap3A = arith.index_cast %add3A_509 : i32 to index
      %swap3A_510 = tpu.vector_load %arg7[%swap3A] {strides = array<i32>} : memref<32768xf32, #tpu.memory_space<vmem>>, vector<16xf32>,
      tpu.vector_store %arg7[%swap3A], %gather3A {strides = array<i32>} : memref<32768xf32, #tpu.memory_space<vmem>>, vector<16xf32>,
      %add3A_511 = arith.constant 1024 : i32
      %add3A_512 = vector.broadcast %add3A_511 : i32 to vector<16xi32>
      %add3A_513 = arith.addi %get3A_504, %add3A_512 : vector<16xi32>
      %gather3A_514 = tpu.vector_load_idx %arg5[%add3A_513] : memref<2048xf32, #tpu.memory_space<vmem>>[vector<16xi32>], vector<16xf32>,
      %add3A_515 = arith.constant 15360 : i32
      %add3A_516 = arith.addi %multiple_of3A, %add3A_515 : i32
      %swap3A_517 = arith.index_cast %add3A_516 : i32 to index
      %swap3A_518 = tpu.vector_load %arg7[%swap3A_517] {strides = array<i32>} : memref<32768xf32, #tpu.memory_space<vmem>>, vector<16xf32>,
      tpu.vector_store %arg7[%swap3A_517], %gather3A_514 {strides = array<i32>} : memref<32768xf32, #tpu.memory_space<vmem>>, vector<16xf32>,
      %while3A_519 = arith.constant 0 : i32
      scf.yield %while3A_519 : i32
    }
    %while3A_189 = arith.constant 1 : i32
    %while3A_190 = scf.for %while3A_498 = %while3A_186 to %while3A_182 step %while3A_189 iter_args(%while3A_499 = %while3A_188) -> (i32)  : i32 {
      %mul3A_500 = arith.constant 16 : i32
      %mul3A_501 = arith.muli %while3A_498, %mul3A_500 : i32
      %multiple_of3A = tpu.assume_multiple %mul3A_501, 16 : i32
      %add3A_502 = arith.constant 7168 : i32
      %add3A_503 = arith.addi %multiple_of3A, %add3A_502 : i32
      %get3A = arith.index_cast %add3A_503 : i32 to index
      %get3A_504 = tpu.vector_load %arg6[%get3A] {strides = array<i32>} : memref<16384xi32, #tpu.memory_space<vmem>>, vector<16xi32>,
      %add3A_505 = arith.constant 0 : i32
      %add3A_506 = vector.broadcast %add3A_505 : i32 to vector<16xi32>
      %add3A_507 = arith.addi %get3A_504, %add3A_506 : vector<16xi32>
      %gather3A = tpu.vector_load_idx %arg5[%add3A_507] : memref<2048xf32, #tpu.memory_space<vmem>>[vector<16xi32>], vector<16xf32>,
      %add3A_508 = arith.constant 14336 : i32
      %add3A_509 = arith.addi %multiple_of3A, %add3A_508 : i32
      %swap3A = arith.index_cast %add3A_509 : i32 to index
      %swap3A_510 = tpu.vector_load %arg7[%swap3A] {strides = array<i32>} : memref<32768xf32, #tpu.memory_space<vmem>>, vector<16xf32>,
      tpu.vector_store %arg7[%swap3A], %gather3A {strides = array<i32>} : memref<32768xf32, #tpu.memory_space<vmem>>, vector<16xf32>,
      %add3A_511 = arith.constant 1024 : i32
      %add3A_512 = vector.broadcast %add3A_511 : i32 to vector<16xi32>
      %add3A_513 = arith.addi %get3A_504, %add3A_512 : vector<16xi32>
      %gather3A_514 = tpu.vector_load_idx %arg5[%add3A_513] : memref<2048xf32, #tpu.memory_space<vmem>>[vector<16xi32>], vector<16xf32>,
      %add3A_515 = arith.constant 15360 : i32
      %add3A_516 = arith.addi %multiple_of3A, %add3A_515 : i32
      %swap3A_517 = arith.index_cast %add3A_516 : i32 to index
      %swap3A_518 = tpu.vector_load %arg7[%swap3A_517] {strides = array<i32>} : memref<32768xf32, #tpu.memory_space<vmem>>, vector<16xf32>,
      tpu.vector_store %arg7[%swap3A_517], %gather3A_514 {strides = array<i32>} : memref<32768xf32, #tpu.memory_space<vmem>>, vector<16xf32>,
      %while3A_519 = arith.constant 0 : i32
      scf.yield %while3A_519 : i32
    }
    %mul3A_191 = arith.constant 7 : i32
    %mul3A_192 = arith.constant 64 : i32
    %mul3A_193 = arith.muli %mul3A_191, %mul3A_192 : i32
    %add3A_194 = arith.addi %mul3A_193, %mul3A_2 : i32
    %mul3A_195 = arith.constant 1024 : i32
    %mul3A_196 = arith.muli %add3A_194, %mul3A_195 : i32
    %dma_start3A_197 = arith.constant 14336 : i32
    %dma_start3A_198 = tpu.memref_slice %arg7[%dma_start3A_197] : memref<32768xf32, #tpu.memory_space<vmem>> -> memref<2048xf32, #tpu.memory_space<vmem>>
    %dma_start3A_199 = tpu.memref_slice %arg4[%mul3A_196] : memref<1048576xf32, #tpu.memory_space<hbm>> -> memref<2048xf32, #tpu.memory_space<hbm>>
    %dma_start3A_200 = tpu.memref_slice %arg4[%mul3A_196] : memref<1048576xf32, #tpu.memory_space<hbm>> -> memref<2048xf32, #tpu.memory_space<hbm>>
    %dma_start3A_201 = arith.constant 14336 : i32
    %dma_start3A_202 = tpu.memref_slice %arg7[%dma_start3A_201] : memref<32768xf32, #tpu.memory_space<vmem>> -> memref<2048xf32, #tpu.memory_space<vmem>>
    tpu.enqueue_dma source(%dma_start3A_202 : memref<2048xf32, #tpu.memory_space<vmem>>) target(%dma_start3A_200 : memref<2048xf32, #tpu.memory_space<hbm>>) target_semaphore(%arg8 : memref<!tpu.dma_semaphore, #tpu.memory_space<semaphore_mem>>)
    %while3A_203 = arith.constant 0 : i32
    %while3A_204 = arith.constant 64 : i32
    %while3A_205 = arith.constant 0 : i32
    %while3A_206 = arith.subi %while3A_204, %while3A_203 : i32
    %while3A_207 = arith.addi %while3A_203, %while3A_206 : i32
    %while3A_208 = arith.constant 1 : i32
    %while3A_209 = arith.divsi %while3A_206, %while3A_208 : i32
    %while3A_210 = arith.muli %while3A_209, %while3A_208 : i32
    %while3A_211 = arith.addi %while3A_203, %while3A_210 : i32
    %while3A_212 = arith.constant 1 : i32
    %while3A_213 = scf.for %while3A_498 = %while3A_203 to %while3A_211 step %while3A_212 iter_args(%while3A_499 = %while3A_205) -> (i32)  : i32 {
      %mul3A_500 = arith.constant 16 : i32
      %mul3A_501 = arith.muli %while3A_498, %mul3A_500 : i32
      %multiple_of3A = tpu.assume_multiple %mul3A_501, 16 : i32
      %add3A_502 = arith.constant 8192 : i32
      %add3A_503 = arith.addi %multiple_of3A, %add3A_502 : i32
      %get3A = arith.index_cast %add3A_503 : i32 to index
      %get3A_504 = tpu.vector_load %arg6[%get3A] {strides = array<i32>} : memref<16384xi32, #tpu.memory_space<vmem>>, vector<16xi32>,
      %add3A_505 = arith.constant 0 : i32
      %add3A_506 = vector.broadcast %add3A_505 : i32 to vector<16xi32>
      %add3A_507 = arith.addi %get3A_504, %add3A_506 : vector<16xi32>
      %gather3A = tpu.vector_load_idx %arg5[%add3A_507] : memref<2048xf32, #tpu.memory_space<vmem>>[vector<16xi32>], vector<16xf32>,
      %add3A_508 = arith.constant 16384 : i32
      %add3A_509 = arith.addi %multiple_of3A, %add3A_508 : i32
      %swap3A = arith.index_cast %add3A_509 : i32 to index
      %swap3A_510 = tpu.vector_load %arg7[%swap3A] {strides = array<i32>} : memref<32768xf32, #tpu.memory_space<vmem>>, vector<16xf32>,
      tpu.vector_store %arg7[%swap3A], %gather3A {strides = array<i32>} : memref<32768xf32, #tpu.memory_space<vmem>>, vector<16xf32>,
      %add3A_511 = arith.constant 1024 : i32
      %add3A_512 = vector.broadcast %add3A_511 : i32 to vector<16xi32>
      %add3A_513 = arith.addi %get3A_504, %add3A_512 : vector<16xi32>
      %gather3A_514 = tpu.vector_load_idx %arg5[%add3A_513] : memref<2048xf32, #tpu.memory_space<vmem>>[vector<16xi32>], vector<16xf32>,
      %add3A_515 = arith.constant 17408 : i32
      %add3A_516 = arith.addi %multiple_of3A, %add3A_515 : i32
      %swap3A_517 = arith.index_cast %add3A_516 : i32 to index
      %swap3A_518 = tpu.vector_load %arg7[%swap3A_517] {strides = array<i32>} : memref<32768xf32, #tpu.memory_space<vmem>>, vector<16xf32>,
      tpu.vector_store %arg7[%swap3A_517], %gather3A_514 {strides = array<i32>} : memref<32768xf32, #tpu.memory_space<vmem>>, vector<16xf32>,
      %while3A_519 = arith.constant 0 : i32
      scf.yield %while3A_519 : i32
    }
    %while3A_214 = arith.constant 1 : i32
    %while3A_215 = scf.for %while3A_498 = %while3A_211 to %while3A_207 step %while3A_214 iter_args(%while3A_499 = %while3A_213) -> (i32)  : i32 {
      %mul3A_500 = arith.constant 16 : i32
      %mul3A_501 = arith.muli %while3A_498, %mul3A_500 : i32
      %multiple_of3A = tpu.assume_multiple %mul3A_501, 16 : i32
      %add3A_502 = arith.constant 8192 : i32
      %add3A_503 = arith.addi %multiple_of3A, %add3A_502 : i32
      %get3A = arith.index_cast %add3A_503 : i32 to index
      %get3A_504 = tpu.vector_load %arg6[%get3A] {strides = array<i32>} : memref<16384xi32, #tpu.memory_space<vmem>>, vector<16xi32>,
      %add3A_505 = arith.constant 0 : i32
      %add3A_506 = vector.broadcast %add3A_505 : i32 to vector<16xi32>
      %add3A_507 = arith.addi %get3A_504, %add3A_506 : vector<16xi32>
      %gather3A = tpu.vector_load_idx %arg5[%add3A_507] : memref<2048xf32, #tpu.memory_space<vmem>>[vector<16xi32>], vector<16xf32>,
      %add3A_508 = arith.constant 16384 : i32
      %add3A_509 = arith.addi %multiple_of3A, %add3A_508 : i32
      %swap3A = arith.index_cast %add3A_509 : i32 to index
      %swap3A_510 = tpu.vector_load %arg7[%swap3A] {strides = array<i32>} : memref<32768xf32, #tpu.memory_space<vmem>>, vector<16xf32>,
      tpu.vector_store %arg7[%swap3A], %gather3A {strides = array<i32>} : memref<32768xf32, #tpu.memory_space<vmem>>, vector<16xf32>,
      %add3A_511 = arith.constant 1024 : i32
      %add3A_512 = vector.broadcast %add3A_511 : i32 to vector<16xi32>
      %add3A_513 = arith.addi %get3A_504, %add3A_512 : vector<16xi32>
      %gather3A_514 = tpu.vector_load_idx %arg5[%add3A_513] : memref<2048xf32, #tpu.memory_space<vmem>>[vector<16xi32>], vector<16xf32>,
      %add3A_515 = arith.constant 17408 : i32
      %add3A_516 = arith.addi %multiple_of3A, %add3A_515 : i32
      %swap3A_517 = arith.index_cast %add3A_516 : i32 to index
      %swap3A_518 = tpu.vector_load %arg7[%swap3A_517] {strides = array<i32>} : memref<32768xf32, #tpu.memory_space<vmem>>, vector<16xf32>,
      tpu.vector_store %arg7[%swap3A_517], %gather3A_514 {strides = array<i32>} : memref<32768xf32, #tpu.memory_space<vmem>>, vector<16xf32>,
      %while3A_519 = arith.constant 0 : i32
      scf.yield %while3A_519 : i32
    }
    %mul3A_216 = arith.constant 8 : i32
    %mul3A_217 = arith.constant 64 : i32
    %mul3A_218 = arith.muli %mul3A_216, %mul3A_217 : i32
    %add3A_219 = arith.addi %mul3A_218, %mul3A_2 : i32
    %mul3A_220 = arith.constant 1024 : i32
    %mul3A_221 = arith.muli %add3A_219, %mul3A_220 : i32
    %dma_start3A_222 = arith.constant 16384 : i32
    %dma_start3A_223 = tpu.memref_slice %arg7[%dma_start3A_222] : memref<32768xf32, #tpu.memory_space<vmem>> -> memref<2048xf32, #tpu.memory_space<vmem>>
    %dma_start3A_224 = tpu.memref_slice %arg4[%mul3A_221] : memref<1048576xf32, #tpu.memory_space<hbm>> -> memref<2048xf32, #tpu.memory_space<hbm>>
    %dma_start3A_225 = tpu.memref_slice %arg4[%mul3A_221] : memref<1048576xf32, #tpu.memory_space<hbm>> -> memref<2048xf32, #tpu.memory_space<hbm>>
    %dma_start3A_226 = arith.constant 16384 : i32
    %dma_start3A_227 = tpu.memref_slice %arg7[%dma_start3A_226] : memref<32768xf32, #tpu.memory_space<vmem>> -> memref<2048xf32, #tpu.memory_space<vmem>>
    tpu.enqueue_dma source(%dma_start3A_227 : memref<2048xf32, #tpu.memory_space<vmem>>) target(%dma_start3A_225 : memref<2048xf32, #tpu.memory_space<hbm>>) target_semaphore(%arg8 : memref<!tpu.dma_semaphore, #tpu.memory_space<semaphore_mem>>)
    %while3A_228 = arith.constant 0 : i32
    %while3A_229 = arith.constant 64 : i32
    %while3A_230 = arith.constant 0 : i32
    %while3A_231 = arith.subi %while3A_229, %while3A_228 : i32
    %while3A_232 = arith.addi %while3A_228, %while3A_231 : i32
    %while3A_233 = arith.constant 1 : i32
    %while3A_234 = arith.divsi %while3A_231, %while3A_233 : i32
    %while3A_235 = arith.muli %while3A_234, %while3A_233 : i32
    %while3A_236 = arith.addi %while3A_228, %while3A_235 : i32
    %while3A_237 = arith.constant 1 : i32
    %while3A_238 = scf.for %while3A_498 = %while3A_228 to %while3A_236 step %while3A_237 iter_args(%while3A_499 = %while3A_230) -> (i32)  : i32 {
      %mul3A_500 = arith.constant 16 : i32
      %mul3A_501 = arith.muli %while3A_498, %mul3A_500 : i32
      %multiple_of3A = tpu.assume_multiple %mul3A_501, 16 : i32
      %add3A_502 = arith.constant 9216 : i32
      %add3A_503 = arith.addi %multiple_of3A, %add3A_502 : i32
      %get3A = arith.index_cast %add3A_503 : i32 to index
      %get3A_504 = tpu.vector_load %arg6[%get3A] {strides = array<i32>} : memref<16384xi32, #tpu.memory_space<vmem>>, vector<16xi32>,
      %add3A_505 = arith.constant 0 : i32
      %add3A_506 = vector.broadcast %add3A_505 : i32 to vector<16xi32>
      %add3A_507 = arith.addi %get3A_504, %add3A_506 : vector<16xi32>
      %gather3A = tpu.vector_load_idx %arg5[%add3A_507] : memref<2048xf32, #tpu.memory_space<vmem>>[vector<16xi32>], vector<16xf32>,
      %add3A_508 = arith.constant 18432 : i32
      %add3A_509 = arith.addi %multiple_of3A, %add3A_508 : i32
      %swap3A = arith.index_cast %add3A_509 : i32 to index
      %swap3A_510 = tpu.vector_load %arg7[%swap3A] {strides = array<i32>} : memref<32768xf32, #tpu.memory_space<vmem>>, vector<16xf32>,
      tpu.vector_store %arg7[%swap3A], %gather3A {strides = array<i32>} : memref<32768xf32, #tpu.memory_space<vmem>>, vector<16xf32>,
      %add3A_511 = arith.constant 1024 : i32
      %add3A_512 = vector.broadcast %add3A_511 : i32 to vector<16xi32>
      %add3A_513 = arith.addi %get3A_504, %add3A_512 : vector<16xi32>
      %gather3A_514 = tpu.vector_load_idx %arg5[%add3A_513] : memref<2048xf32, #tpu.memory_space<vmem>>[vector<16xi32>], vector<16xf32>,
      %add3A_515 = arith.constant 19456 : i32
      %add3A_516 = arith.addi %multiple_of3A, %add3A_515 : i32
      %swap3A_517 = arith.index_cast %add3A_516 : i32 to index
      %swap3A_518 = tpu.vector_load %arg7[%swap3A_517] {strides = array<i32>} : memref<32768xf32, #tpu.memory_space<vmem>>, vector<16xf32>,
      tpu.vector_store %arg7[%swap3A_517], %gather3A_514 {strides = array<i32>} : memref<32768xf32, #tpu.memory_space<vmem>>, vector<16xf32>,
      %while3A_519 = arith.constant 0 : i32
      scf.yield %while3A_519 : i32
    }
    %while3A_239 = arith.constant 1 : i32
    %while3A_240 = scf.for %while3A_498 = %while3A_236 to %while3A_232 step %while3A_239 iter_args(%while3A_499 = %while3A_238) -> (i32)  : i32 {
      %mul3A_500 = arith.constant 16 : i32
      %mul3A_501 = arith.muli %while3A_498, %mul3A_500 : i32
      %multiple_of3A = tpu.assume_multiple %mul3A_501, 16 : i32
      %add3A_502 = arith.constant 9216 : i32
      %add3A_503 = arith.addi %multiple_of3A, %add3A_502 : i32
      %get3A = arith.index_cast %add3A_503 : i32 to index
      %get3A_504 = tpu.vector_load %arg6[%get3A] {strides = array<i32>} : memref<16384xi32, #tpu.memory_space<vmem>>, vector<16xi32>,
      %add3A_505 = arith.constant 0 : i32
      %add3A_506 = vector.broadcast %add3A_505 : i32 to vector<16xi32>
      %add3A_507 = arith.addi %get3A_504, %add3A_506 : vector<16xi32>
      %gather3A = tpu.vector_load_idx %arg5[%add3A_507] : memref<2048xf32, #tpu.memory_space<vmem>>[vector<16xi32>], vector<16xf32>,
      %add3A_508 = arith.constant 18432 : i32
      %add3A_509 = arith.addi %multiple_of3A, %add3A_508 : i32
      %swap3A = arith.index_cast %add3A_509 : i32 to index
      %swap3A_510 = tpu.vector_load %arg7[%swap3A] {strides = array<i32>} : memref<32768xf32, #tpu.memory_space<vmem>>, vector<16xf32>,
      tpu.vector_store %arg7[%swap3A], %gather3A {strides = array<i32>} : memref<32768xf32, #tpu.memory_space<vmem>>, vector<16xf32>,
      %add3A_511 = arith.constant 1024 : i32
      %add3A_512 = vector.broadcast %add3A_511 : i32 to vector<16xi32>
      %add3A_513 = arith.addi %get3A_504, %add3A_512 : vector<16xi32>
      %gather3A_514 = tpu.vector_load_idx %arg5[%add3A_513] : memref<2048xf32, #tpu.memory_space<vmem>>[vector<16xi32>], vector<16xf32>,
      %add3A_515 = arith.constant 19456 : i32
      %add3A_516 = arith.addi %multiple_of3A, %add3A_515 : i32
      %swap3A_517 = arith.index_cast %add3A_516 : i32 to index
      %swap3A_518 = tpu.vector_load %arg7[%swap3A_517] {strides = array<i32>} : memref<32768xf32, #tpu.memory_space<vmem>>, vector<16xf32>,
      tpu.vector_store %arg7[%swap3A_517], %gather3A_514 {strides = array<i32>} : memref<32768xf32, #tpu.memory_space<vmem>>, vector<16xf32>,
      %while3A_519 = arith.constant 0 : i32
      scf.yield %while3A_519 : i32
    }
    %mul3A_241 = arith.constant 9 : i32
    %mul3A_242 = arith.constant 64 : i32
    %mul3A_243 = arith.muli %mul3A_241, %mul3A_242 : i32
    %add3A_244 = arith.addi %mul3A_243, %mul3A_2 : i32
    %mul3A_245 = arith.constant 1024 : i32
    %mul3A_246 = arith.muli %add3A_244, %mul3A_245 : i32
    %dma_start3A_247 = arith.constant 18432 : i32
    %dma_start3A_248 = tpu.memref_slice %arg7[%dma_start3A_247] : memref<32768xf32, #tpu.memory_space<vmem>> -> memref<2048xf32, #tpu.memory_space<vmem>>
    %dma_start3A_249 = tpu.memref_slice %arg4[%mul3A_246] : memref<1048576xf32, #tpu.memory_space<hbm>> -> memref<2048xf32, #tpu.memory_space<hbm>>
    %dma_start3A_250 = tpu.memref_slice %arg4[%mul3A_246] : memref<1048576xf32, #tpu.memory_space<hbm>> -> memref<2048xf32, #tpu.memory_space<hbm>>
    %dma_start3A_251 = arith.constant 18432 : i32
    %dma_start3A_252 = tpu.memref_slice %arg7[%dma_start3A_251] : memref<32768xf32, #tpu.memory_space<vmem>> -> memref<2048xf32, #tpu.memory_space<vmem>>
    tpu.enqueue_dma source(%dma_start3A_252 : memref<2048xf32, #tpu.memory_space<vmem>>) target(%dma_start3A_250 : memref<2048xf32, #tpu.memory_space<hbm>>) target_semaphore(%arg8 : memref<!tpu.dma_semaphore, #tpu.memory_space<semaphore_mem>>)
    %while3A_253 = arith.constant 0 : i32
    %while3A_254 = arith.constant 64 : i32
    %while3A_255 = arith.constant 0 : i32
    %while3A_256 = arith.subi %while3A_254, %while3A_253 : i32
    %while3A_257 = arith.addi %while3A_253, %while3A_256 : i32
    %while3A_258 = arith.constant 1 : i32
    %while3A_259 = arith.divsi %while3A_256, %while3A_258 : i32
    %while3A_260 = arith.muli %while3A_259, %while3A_258 : i32
    %while3A_261 = arith.addi %while3A_253, %while3A_260 : i32
    %while3A_262 = arith.constant 1 : i32
    %while3A_263 = scf.for %while3A_498 = %while3A_253 to %while3A_261 step %while3A_262 iter_args(%while3A_499 = %while3A_255) -> (i32)  : i32 {
      %mul3A_500 = arith.constant 16 : i32
      %mul3A_501 = arith.muli %while3A_498, %mul3A_500 : i32
      %multiple_of3A = tpu.assume_multiple %mul3A_501, 16 : i32
      %add3A_502 = arith.constant 10240 : i32
      %add3A_503 = arith.addi %multiple_of3A, %add3A_502 : i32
      %get3A = arith.index_cast %add3A_503 : i32 to index
      %get3A_504 = tpu.vector_load %arg6[%get3A] {strides = array<i32>} : memref<16384xi32, #tpu.memory_space<vmem>>, vector<16xi32>,
      %add3A_505 = arith.constant 0 : i32
      %add3A_506 = vector.broadcast %add3A_505 : i32 to vector<16xi32>
      %add3A_507 = arith.addi %get3A_504, %add3A_506 : vector<16xi32>
      %gather3A = tpu.vector_load_idx %arg5[%add3A_507] : memref<2048xf32, #tpu.memory_space<vmem>>[vector<16xi32>], vector<16xf32>,
      %add3A_508 = arith.constant 20480 : i32
      %add3A_509 = arith.addi %multiple_of3A, %add3A_508 : i32
      %swap3A = arith.index_cast %add3A_509 : i32 to index
      %swap3A_510 = tpu.vector_load %arg7[%swap3A] {strides = array<i32>} : memref<32768xf32, #tpu.memory_space<vmem>>, vector<16xf32>,
      tpu.vector_store %arg7[%swap3A], %gather3A {strides = array<i32>} : memref<32768xf32, #tpu.memory_space<vmem>>, vector<16xf32>,
      %add3A_511 = arith.constant 1024 : i32
      %add3A_512 = vector.broadcast %add3A_511 : i32 to vector<16xi32>
      %add3A_513 = arith.addi %get3A_504, %add3A_512 : vector<16xi32>
      %gather3A_514 = tpu.vector_load_idx %arg5[%add3A_513] : memref<2048xf32, #tpu.memory_space<vmem>>[vector<16xi32>], vector<16xf32>,
      %add3A_515 = arith.constant 21504 : i32
      %add3A_516 = arith.addi %multiple_of3A, %add3A_515 : i32
      %swap3A_517 = arith.index_cast %add3A_516 : i32 to index
      %swap3A_518 = tpu.vector_load %arg7[%swap3A_517] {strides = array<i32>} : memref<32768xf32, #tpu.memory_space<vmem>>, vector<16xf32>,
      tpu.vector_store %arg7[%swap3A_517], %gather3A_514 {strides = array<i32>} : memref<32768xf32, #tpu.memory_space<vmem>>, vector<16xf32>,
      %while3A_519 = arith.constant 0 : i32
      scf.yield %while3A_519 : i32
    }
    %while3A_264 = arith.constant 1 : i32
    %while3A_265 = scf.for %while3A_498 = %while3A_261 to %while3A_257 step %while3A_264 iter_args(%while3A_499 = %while3A_263) -> (i32)  : i32 {
      %mul3A_500 = arith.constant 16 : i32
      %mul3A_501 = arith.muli %while3A_498, %mul3A_500 : i32
      %multiple_of3A = tpu.assume_multiple %mul3A_501, 16 : i32
      %add3A_502 = arith.constant 10240 : i32
      %add3A_503 = arith.addi %multiple_of3A, %add3A_502 : i32
      %get3A = arith.index_cast %add3A_503 : i32 to index
      %get3A_504 = tpu.vector_load %arg6[%get3A] {strides = array<i32>} : memref<16384xi32, #tpu.memory_space<vmem>>, vector<16xi32>,
      %add3A_505 = arith.constant 0 : i32
      %add3A_506 = vector.broadcast %add3A_505 : i32 to vector<16xi32>
      %add3A_507 = arith.addi %get3A_504, %add3A_506 : vector<16xi32>
      %gather3A = tpu.vector_load_idx %arg5[%add3A_507] : memref<2048xf32, #tpu.memory_space<vmem>>[vector<16xi32>], vector<16xf32>,
      %add3A_508 = arith.constant 20480 : i32
      %add3A_509 = arith.addi %multiple_of3A, %add3A_508 : i32
      %swap3A = arith.index_cast %add3A_509 : i32 to index
      %swap3A_510 = tpu.vector_load %arg7[%swap3A] {strides = array<i32>} : memref<32768xf32, #tpu.memory_space<vmem>>, vector<16xf32>,
      tpu.vector_store %arg7[%swap3A], %gather3A {strides = array<i32>} : memref<32768xf32, #tpu.memory_space<vmem>>, vector<16xf32>,
      %add3A_511 = arith.constant 1024 : i32
      %add3A_512 = vector.broadcast %add3A_511 : i32 to vector<16xi32>
      %add3A_513 = arith.addi %get3A_504, %add3A_512 : vector<16xi32>
      %gather3A_514 = tpu.vector_load_idx %arg5[%add3A_513] : memref<2048xf32, #tpu.memory_space<vmem>>[vector<16xi32>], vector<16xf32>,
      %add3A_515 = arith.constant 21504 : i32
      %add3A_516 = arith.addi %multiple_of3A, %add3A_515 : i32
      %swap3A_517 = arith.index_cast %add3A_516 : i32 to index
      %swap3A_518 = tpu.vector_load %arg7[%swap3A_517] {strides = array<i32>} : memref<32768xf32, #tpu.memory_space<vmem>>, vector<16xf32>,
      tpu.vector_store %arg7[%swap3A_517], %gather3A_514 {strides = array<i32>} : memref<32768xf32, #tpu.memory_space<vmem>>, vector<16xf32>,
      %while3A_519 = arith.constant 0 : i32
      scf.yield %while3A_519 : i32
    }
    %mul3A_266 = arith.constant 10 : i32
    %mul3A_267 = arith.constant 64 : i32
    %mul3A_268 = arith.muli %mul3A_266, %mul3A_267 : i32
    %add3A_269 = arith.addi %mul3A_268, %mul3A_2 : i32
    %mul3A_270 = arith.constant 1024 : i32
    %mul3A_271 = arith.muli %add3A_269, %mul3A_270 : i32
    %dma_start3A_272 = arith.constant 20480 : i32
    %dma_start3A_273 = tpu.memref_slice %arg7[%dma_start3A_272] : memref<32768xf32, #tpu.memory_space<vmem>> -> memref<2048xf32, #tpu.memory_space<vmem>>
    %dma_start3A_274 = tpu.memref_slice %arg4[%mul3A_271] : memref<1048576xf32, #tpu.memory_space<hbm>> -> memref<2048xf32, #tpu.memory_space<hbm>>
    %dma_start3A_275 = tpu.memref_slice %arg4[%mul3A_271] : memref<1048576xf32, #tpu.memory_space<hbm>> -> memref<2048xf32, #tpu.memory_space<hbm>>
    %dma_start3A_276 = arith.constant 20480 : i32
    %dma_start3A_277 = tpu.memref_slice %arg7[%dma_start3A_276] : memref<32768xf32, #tpu.memory_space<vmem>> -> memref<2048xf32, #tpu.memory_space<vmem>>
    tpu.enqueue_dma source(%dma_start3A_277 : memref<2048xf32, #tpu.memory_space<vmem>>) target(%dma_start3A_275 : memref<2048xf32, #tpu.memory_space<hbm>>) target_semaphore(%arg8 : memref<!tpu.dma_semaphore, #tpu.memory_space<semaphore_mem>>)
    %while3A_278 = arith.constant 0 : i32
    %while3A_279 = arith.constant 64 : i32
    %while3A_280 = arith.constant 0 : i32
    %while3A_281 = arith.subi %while3A_279, %while3A_278 : i32
    %while3A_282 = arith.addi %while3A_278, %while3A_281 : i32
    %while3A_283 = arith.constant 1 : i32
    %while3A_284 = arith.divsi %while3A_281, %while3A_283 : i32
    %while3A_285 = arith.muli %while3A_284, %while3A_283 : i32
    %while3A_286 = arith.addi %while3A_278, %while3A_285 : i32
    %while3A_287 = arith.constant 1 : i32
    %while3A_288 = scf.for %while3A_498 = %while3A_278 to %while3A_286 step %while3A_287 iter_args(%while3A_499 = %while3A_280) -> (i32)  : i32 {
      %mul3A_500 = arith.constant 16 : i32
      %mul3A_501 = arith.muli %while3A_498, %mul3A_500 : i32
      %multiple_of3A = tpu.assume_multiple %mul3A_501, 16 : i32
      %add3A_502 = arith.constant 11264 : i32
      %add3A_503 = arith.addi %multiple_of3A, %add3A_502 : i32
      %get3A = arith.index_cast %add3A_503 : i32 to index
      %get3A_504 = tpu.vector_load %arg6[%get3A] {strides = array<i32>} : memref<16384xi32, #tpu.memory_space<vmem>>, vector<16xi32>,
      %add3A_505 = arith.constant 0 : i32
      %add3A_506 = vector.broadcast %add3A_505 : i32 to vector<16xi32>
      %add3A_507 = arith.addi %get3A_504, %add3A_506 : vector<16xi32>
      %gather3A = tpu.vector_load_idx %arg5[%add3A_507] : memref<2048xf32, #tpu.memory_space<vmem>>[vector<16xi32>], vector<16xf32>,
      %add3A_508 = arith.constant 22528 : i32
      %add3A_509 = arith.addi %multiple_of3A, %add3A_508 : i32
      %swap3A = arith.index_cast %add3A_509 : i32 to index
      %swap3A_510 = tpu.vector_load %arg7[%swap3A] {strides = array<i32>} : memref<32768xf32, #tpu.memory_space<vmem>>, vector<16xf32>,
      tpu.vector_store %arg7[%swap3A], %gather3A {strides = array<i32>} : memref<32768xf32, #tpu.memory_space<vmem>>, vector<16xf32>,
      %add3A_511 = arith.constant 1024 : i32
      %add3A_512 = vector.broadcast %add3A_511 : i32 to vector<16xi32>
      %add3A_513 = arith.addi %get3A_504, %add3A_512 : vector<16xi32>
      %gather3A_514 = tpu.vector_load_idx %arg5[%add3A_513] : memref<2048xf32, #tpu.memory_space<vmem>>[vector<16xi32>], vector<16xf32>,
      %add3A_515 = arith.constant 23552 : i32
      %add3A_516 = arith.addi %multiple_of3A, %add3A_515 : i32
      %swap3A_517 = arith.index_cast %add3A_516 : i32 to index
      %swap3A_518 = tpu.vector_load %arg7[%swap3A_517] {strides = array<i32>} : memref<32768xf32, #tpu.memory_space<vmem>>, vector<16xf32>,
      tpu.vector_store %arg7[%swap3A_517], %gather3A_514 {strides = array<i32>} : memref<32768xf32, #tpu.memory_space<vmem>>, vector<16xf32>,
      %while3A_519 = arith.constant 0 : i32
      scf.yield %while3A_519 : i32
    }
    %while3A_289 = arith.constant 1 : i32
    %while3A_290 = scf.for %while3A_498 = %while3A_286 to %while3A_282 step %while3A_289 iter_args(%while3A_499 = %while3A_288) -> (i32)  : i32 {
      %mul3A_500 = arith.constant 16 : i32
      %mul3A_501 = arith.muli %while3A_498, %mul3A_500 : i32
      %multiple_of3A = tpu.assume_multiple %mul3A_501, 16 : i32
      %add3A_502 = arith.constant 11264 : i32
      %add3A_503 = arith.addi %multiple_of3A, %add3A_502 : i32
      %get3A = arith.index_cast %add3A_503 : i32 to index
      %get3A_504 = tpu.vector_load %arg6[%get3A] {strides = array<i32>} : memref<16384xi32, #tpu.memory_space<vmem>>, vector<16xi32>,
      %add3A_505 = arith.constant 0 : i32
      %add3A_506 = vector.broadcast %add3A_505 : i32 to vector<16xi32>
      %add3A_507 = arith.addi %get3A_504, %add3A_506 : vector<16xi32>
      %gather3A = tpu.vector_load_idx %arg5[%add3A_507] : memref<2048xf32, #tpu.memory_space<vmem>>[vector<16xi32>], vector<16xf32>,
      %add3A_508 = arith.constant 22528 : i32
      %add3A_509 = arith.addi %multiple_of3A, %add3A_508 : i32
      %swap3A = arith.index_cast %add3A_509 : i32 to index
      %swap3A_510 = tpu.vector_load %arg7[%swap3A] {strides = array<i32>} : memref<32768xf32, #tpu.memory_space<vmem>>, vector<16xf32>,
      tpu.vector_store %arg7[%swap3A], %gather3A {strides = array<i32>} : memref<32768xf32, #tpu.memory_space<vmem>>, vector<16xf32>,
      %add3A_511 = arith.constant 1024 : i32
      %add3A_512 = vector.broadcast %add3A_511 : i32 to vector<16xi32>
      %add3A_513 = arith.addi %get3A_504, %add3A_512 : vector<16xi32>
      %gather3A_514 = tpu.vector_load_idx %arg5[%add3A_513] : memref<2048xf32, #tpu.memory_space<vmem>>[vector<16xi32>], vector<16xf32>,
      %add3A_515 = arith.constant 23552 : i32
      %add3A_516 = arith.addi %multiple_of3A, %add3A_515 : i32
      %swap3A_517 = arith.index_cast %add3A_516 : i32 to index
      %swap3A_518 = tpu.vector_load %arg7[%swap3A_517] {strides = array<i32>} : memref<32768xf32, #tpu.memory_space<vmem>>, vector<16xf32>,
      tpu.vector_store %arg7[%swap3A_517], %gather3A_514 {strides = array<i32>} : memref<32768xf32, #tpu.memory_space<vmem>>, vector<16xf32>,
      %while3A_519 = arith.constant 0 : i32
      scf.yield %while3A_519 : i32
    }
    %mul3A_291 = arith.constant 11 : i32
    %mul3A_292 = arith.constant 64 : i32
    %mul3A_293 = arith.muli %mul3A_291, %mul3A_292 : i32
    %add3A_294 = arith.addi %mul3A_293, %mul3A_2 : i32
    %mul3A_295 = arith.constant 1024 : i32
    %mul3A_296 = arith.muli %add3A_294, %mul3A_295 : i32
    %dma_start3A_297 = arith.constant 22528 : i32
    %dma_start3A_298 = tpu.memref_slice %arg7[%dma_start3A_297] : memref<32768xf32, #tpu.memory_space<vmem>> -> memref<2048xf32, #tpu.memory_space<vmem>>
    %dma_start3A_299 = tpu.memref_slice %arg4[%mul3A_296] : memref<1048576xf32, #tpu.memory_space<hbm>> -> memref<2048xf32, #tpu.memory_space<hbm>>
    %dma_start3A_300 = tpu.memref_slice %arg4[%mul3A_296] : memref<1048576xf32, #tpu.memory_space<hbm>> -> memref<2048xf32, #tpu.memory_space<hbm>>
    %dma_start3A_301 = arith.constant 22528 : i32
    %dma_start3A_302 = tpu.memref_slice %arg7[%dma_start3A_301] : memref<32768xf32, #tpu.memory_space<vmem>> -> memref<2048xf32, #tpu.memory_space<vmem>>
    tpu.enqueue_dma source(%dma_start3A_302 : memref<2048xf32, #tpu.memory_space<vmem>>) target(%dma_start3A_300 : memref<2048xf32, #tpu.memory_space<hbm>>) target_semaphore(%arg8 : memref<!tpu.dma_semaphore, #tpu.memory_space<semaphore_mem>>)
    %while3A_303 = arith.constant 0 : i32
    %while3A_304 = arith.constant 64 : i32
    %while3A_305 = arith.constant 0 : i32
    %while3A_306 = arith.subi %while3A_304, %while3A_303 : i32
    %while3A_307 = arith.addi %while3A_303, %while3A_306 : i32
    %while3A_308 = arith.constant 1 : i32
    %while3A_309 = arith.divsi %while3A_306, %while3A_308 : i32
    %while3A_310 = arith.muli %while3A_309, %while3A_308 : i32
    %while3A_311 = arith.addi %while3A_303, %while3A_310 : i32
    %while3A_312 = arith.constant 1 : i32
    %while3A_313 = scf.for %while3A_498 = %while3A_303 to %while3A_311 step %while3A_312 iter_args(%while3A_499 = %while3A_305) -> (i32)  : i32 {
      %mul3A_500 = arith.constant 16 : i32
      %mul3A_501 = arith.muli %while3A_498, %mul3A_500 : i32
      %multiple_of3A = tpu.assume_multiple %mul3A_501, 16 : i32
      %add3A_502 = arith.constant 12288 : i32
      %add3A_503 = arith.addi %multiple_of3A, %add3A_502 : i32
      %get3A = arith.index_cast %add3A_503 : i32 to index
      %get3A_504 = tpu.vector_load %arg6[%get3A] {strides = array<i32>} : memref<16384xi32, #tpu.memory_space<vmem>>, vector<16xi32>,
      %add3A_505 = arith.constant 0 : i32
      %add3A_506 = vector.broadcast %add3A_505 : i32 to vector<16xi32>
      %add3A_507 = arith.addi %get3A_504, %add3A_506 : vector<16xi32>
      %gather3A = tpu.vector_load_idx %arg5[%add3A_507] : memref<2048xf32, #tpu.memory_space<vmem>>[vector<16xi32>], vector<16xf32>,
      %add3A_508 = arith.constant 24576 : i32
      %add3A_509 = arith.addi %multiple_of3A, %add3A_508 : i32
      %swap3A = arith.index_cast %add3A_509 : i32 to index
      %swap3A_510 = tpu.vector_load %arg7[%swap3A] {strides = array<i32>} : memref<32768xf32, #tpu.memory_space<vmem>>, vector<16xf32>,
      tpu.vector_store %arg7[%swap3A], %gather3A {strides = array<i32>} : memref<32768xf32, #tpu.memory_space<vmem>>, vector<16xf32>,
      %add3A_511 = arith.constant 1024 : i32
      %add3A_512 = vector.broadcast %add3A_511 : i32 to vector<16xi32>
      %add3A_513 = arith.addi %get3A_504, %add3A_512 : vector<16xi32>
      %gather3A_514 = tpu.vector_load_idx %arg5[%add3A_513] : memref<2048xf32, #tpu.memory_space<vmem>>[vector<16xi32>], vector<16xf32>,
      %add3A_515 = arith.constant 25600 : i32
      %add3A_516 = arith.addi %multiple_of3A, %add3A_515 : i32
      %swap3A_517 = arith.index_cast %add3A_516 : i32 to index
      %swap3A_518 = tpu.vector_load %arg7[%swap3A_517] {strides = array<i32>} : memref<32768xf32, #tpu.memory_space<vmem>>, vector<16xf32>,
      tpu.vector_store %arg7[%swap3A_517], %gather3A_514 {strides = array<i32>} : memref<32768xf32, #tpu.memory_space<vmem>>, vector<16xf32>,
      %while3A_519 = arith.constant 0 : i32
      scf.yield %while3A_519 : i32
    }
    %while3A_314 = arith.constant 1 : i32
    %while3A_315 = scf.for %while3A_498 = %while3A_311 to %while3A_307 step %while3A_314 iter_args(%while3A_499 = %while3A_313) -> (i32)  : i32 {
      %mul3A_500 = arith.constant 16 : i32
      %mul3A_501 = arith.muli %while3A_498, %mul3A_500 : i32
      %multiple_of3A = tpu.assume_multiple %mul3A_501, 16 : i32
      %add3A_502 = arith.constant 12288 : i32
      %add3A_503 = arith.addi %multiple_of3A, %add3A_502 : i32
      %get3A = arith.index_cast %add3A_503 : i32 to index
      %get3A_504 = tpu.vector_load %arg6[%get3A] {strides = array<i32>} : memref<16384xi32, #tpu.memory_space<vmem>>, vector<16xi32>,
      %add3A_505 = arith.constant 0 : i32
      %add3A_506 = vector.broadcast %add3A_505 : i32 to vector<16xi32>
      %add3A_507 = arith.addi %get3A_504, %add3A_506 : vector<16xi32>
      %gather3A = tpu.vector_load_idx %arg5[%add3A_507] : memref<2048xf32, #tpu.memory_space<vmem>>[vector<16xi32>], vector<16xf32>,
      %add3A_508 = arith.constant 24576 : i32
      %add3A_509 = arith.addi %multiple_of3A, %add3A_508 : i32
      %swap3A = arith.index_cast %add3A_509 : i32 to index
      %swap3A_510 = tpu.vector_load %arg7[%swap3A] {strides = array<i32>} : memref<32768xf32, #tpu.memory_space<vmem>>, vector<16xf32>,
      tpu.vector_store %arg7[%swap3A], %gather3A {strides = array<i32>} : memref<32768xf32, #tpu.memory_space<vmem>>, vector<16xf32>,
      %add3A_511 = arith.constant 1024 : i32
      %add3A_512 = vector.broadcast %add3A_511 : i32 to vector<16xi32>
      %add3A_513 = arith.addi %get3A_504, %add3A_512 : vector<16xi32>
      %gather3A_514 = tpu.vector_load_idx %arg5[%add3A_513] : memref<2048xf32, #tpu.memory_space<vmem>>[vector<16xi32>], vector<16xf32>,
      %add3A_515 = arith.constant 25600 : i32
      %add3A_516 = arith.addi %multiple_of3A, %add3A_515 : i32
      %swap3A_517 = arith.index_cast %add3A_516 : i32 to index
      %swap3A_518 = tpu.vector_load %arg7[%swap3A_517] {strides = array<i32>} : memref<32768xf32, #tpu.memory_space<vmem>>, vector<16xf32>,
      tpu.vector_store %arg7[%swap3A_517], %gather3A_514 {strides = array<i32>} : memref<32768xf32, #tpu.memory_space<vmem>>, vector<16xf32>,
      %while3A_519 = arith.constant 0 : i32
      scf.yield %while3A_519 : i32
    }
    %mul3A_316 = arith.constant 12 : i32
    %mul3A_317 = arith.constant 64 : i32
    %mul3A_318 = arith.muli %mul3A_316, %mul3A_317 : i32
    %add3A_319 = arith.addi %mul3A_318, %mul3A_2 : i32
    %mul3A_320 = arith.constant 1024 : i32
    %mul3A_321 = arith.muli %add3A_319, %mul3A_320 : i32
    %dma_start3A_322 = arith.constant 24576 : i32
    %dma_start3A_323 = tpu.memref_slice %arg7[%dma_start3A_322] : memref<32768xf32, #tpu.memory_space<vmem>> -> memref<2048xf32, #tpu.memory_space<vmem>>
    %dma_start3A_324 = tpu.memref_slice %arg4[%mul3A_321] : memref<1048576xf32, #tpu.memory_space<hbm>> -> memref<2048xf32, #tpu.memory_space<hbm>>
    %dma_start3A_325 = tpu.memref_slice %arg4[%mul3A_321] : memref<1048576xf32, #tpu.memory_space<hbm>> -> memref<2048xf32, #tpu.memory_space<hbm>>
    %dma_start3A_326 = arith.constant 24576 : i32
    %dma_start3A_327 = tpu.memref_slice %arg7[%dma_start3A_326] : memref<32768xf32, #tpu.memory_space<vmem>> -> memref<2048xf32, #tpu.memory_space<vmem>>
    tpu.enqueue_dma source(%dma_start3A_327 : memref<2048xf32, #tpu.memory_space<vmem>>) target(%dma_start3A_325 : memref<2048xf32, #tpu.memory_space<hbm>>) target_semaphore(%arg8 : memref<!tpu.dma_semaphore, #tpu.memory_space<semaphore_mem>>)
    %while3A_328 = arith.constant 0 : i32
    %while3A_329 = arith.constant 64 : i32
    %while3A_330 = arith.constant 0 : i32
    %while3A_331 = arith.subi %while3A_329, %while3A_328 : i32
    %while3A_332 = arith.addi %while3A_328, %while3A_331 : i32
    %while3A_333 = arith.constant 1 : i32
    %while3A_334 = arith.divsi %while3A_331, %while3A_333 : i32
    %while3A_335 = arith.muli %while3A_334, %while3A_333 : i32
    %while3A_336 = arith.addi %while3A_328, %while3A_335 : i32
    %while3A_337 = arith.constant 1 : i32
    %while3A_338 = scf.for %while3A_498 = %while3A_328 to %while3A_336 step %while3A_337 iter_args(%while3A_499 = %while3A_330) -> (i32)  : i32 {
      %mul3A_500 = arith.constant 16 : i32
      %mul3A_501 = arith.muli %while3A_498, %mul3A_500 : i32
      %multiple_of3A = tpu.assume_multiple %mul3A_501, 16 : i32
      %add3A_502 = arith.constant 13312 : i32
      %add3A_503 = arith.addi %multiple_of3A, %add3A_502 : i32
      %get3A = arith.index_cast %add3A_503 : i32 to index
      %get3A_504 = tpu.vector_load %arg6[%get3A] {strides = array<i32>} : memref<16384xi32, #tpu.memory_space<vmem>>, vector<16xi32>,
      %add3A_505 = arith.constant 0 : i32
      %add3A_506 = vector.broadcast %add3A_505 : i32 to vector<16xi32>
      %add3A_507 = arith.addi %get3A_504, %add3A_506 : vector<16xi32>
      %gather3A = tpu.vector_load_idx %arg5[%add3A_507] : memref<2048xf32, #tpu.memory_space<vmem>>[vector<16xi32>], vector<16xf32>,
      %add3A_508 = arith.constant 26624 : i32
      %add3A_509 = arith.addi %multiple_of3A, %add3A_508 : i32
      %swap3A = arith.index_cast %add3A_509 : i32 to index
      %swap3A_510 = tpu.vector_load %arg7[%swap3A] {strides = array<i32>} : memref<32768xf32, #tpu.memory_space<vmem>>, vector<16xf32>,
      tpu.vector_store %arg7[%swap3A], %gather3A {strides = array<i32>} : memref<32768xf32, #tpu.memory_space<vmem>>, vector<16xf32>,
      %add3A_511 = arith.constant 1024 : i32
      %add3A_512 = vector.broadcast %add3A_511 : i32 to vector<16xi32>
      %add3A_513 = arith.addi %get3A_504, %add3A_512 : vector<16xi32>
      %gather3A_514 = tpu.vector_load_idx %arg5[%add3A_513] : memref<2048xf32, #tpu.memory_space<vmem>>[vector<16xi32>], vector<16xf32>,
      %add3A_515 = arith.constant 27648 : i32
      %add3A_516 = arith.addi %multiple_of3A, %add3A_515 : i32
      %swap3A_517 = arith.index_cast %add3A_516 : i32 to index
      %swap3A_518 = tpu.vector_load %arg7[%swap3A_517] {strides = array<i32>} : memref<32768xf32, #tpu.memory_space<vmem>>, vector<16xf32>,
      tpu.vector_store %arg7[%swap3A_517], %gather3A_514 {strides = array<i32>} : memref<32768xf32, #tpu.memory_space<vmem>>, vector<16xf32>,
      %while3A_519 = arith.constant 0 : i32
      scf.yield %while3A_519 : i32
    }
    %while3A_339 = arith.constant 1 : i32
    %while3A_340 = scf.for %while3A_498 = %while3A_336 to %while3A_332 step %while3A_339 iter_args(%while3A_499 = %while3A_338) -> (i32)  : i32 {
      %mul3A_500 = arith.constant 16 : i32
      %mul3A_501 = arith.muli %while3A_498, %mul3A_500 : i32
      %multiple_of3A = tpu.assume_multiple %mul3A_501, 16 : i32
      %add3A_502 = arith.constant 13312 : i32
      %add3A_503 = arith.addi %multiple_of3A, %add3A_502 : i32
      %get3A = arith.index_cast %add3A_503 : i32 to index
      %get3A_504 = tpu.vector_load %arg6[%get3A] {strides = array<i32>} : memref<16384xi32, #tpu.memory_space<vmem>>, vector<16xi32>,
      %add3A_505 = arith.constant 0 : i32
      %add3A_506 = vector.broadcast %add3A_505 : i32 to vector<16xi32>
      %add3A_507 = arith.addi %get3A_504, %add3A_506 : vector<16xi32>
      %gather3A = tpu.vector_load_idx %arg5[%add3A_507] : memref<2048xf32, #tpu.memory_space<vmem>>[vector<16xi32>], vector<16xf32>,
      %add3A_508 = arith.constant 26624 : i32
      %add3A_509 = arith.addi %multiple_of3A, %add3A_508 : i32
      %swap3A = arith.index_cast %add3A_509 : i32 to index
      %swap3A_510 = tpu.vector_load %arg7[%swap3A] {strides = array<i32>} : memref<32768xf32, #tpu.memory_space<vmem>>, vector<16xf32>,
      tpu.vector_store %arg7[%swap3A], %gather3A {strides = array<i32>} : memref<32768xf32, #tpu.memory_space<vmem>>, vector<16xf32>,
      %add3A_511 = arith.constant 1024 : i32
      %add3A_512 = vector.broadcast %add3A_511 : i32 to vector<16xi32>
      %add3A_513 = arith.addi %get3A_504, %add3A_512 : vector<16xi32>
      %gather3A_514 = tpu.vector_load_idx %arg5[%add3A_513] : memref<2048xf32, #tpu.memory_space<vmem>>[vector<16xi32>], vector<16xf32>,
      %add3A_515 = arith.constant 27648 : i32
      %add3A_516 = arith.addi %multiple_of3A, %add3A_515 : i32
      %swap3A_517 = arith.index_cast %add3A_516 : i32 to index
      %swap3A_518 = tpu.vector_load %arg7[%swap3A_517] {strides = array<i32>} : memref<32768xf32, #tpu.memory_space<vmem>>, vector<16xf32>,
      tpu.vector_store %arg7[%swap3A_517], %gather3A_514 {strides = array<i32>} : memref<32768xf32, #tpu.memory_space<vmem>>, vector<16xf32>,
      %while3A_519 = arith.constant 0 : i32
      scf.yield %while3A_519 : i32
    }
    %mul3A_341 = arith.constant 13 : i32
    %mul3A_342 = arith.constant 64 : i32
    %mul3A_343 = arith.muli %mul3A_341, %mul3A_342 : i32
    %add3A_344 = arith.addi %mul3A_343, %mul3A_2 : i32
    %mul3A_345 = arith.constant 1024 : i32
    %mul3A_346 = arith.muli %add3A_344, %mul3A_345 : i32
    %dma_start3A_347 = arith.constant 26624 : i32
    %dma_start3A_348 = tpu.memref_slice %arg7[%dma_start3A_347] : memref<32768xf32, #tpu.memory_space<vmem>> -> memref<2048xf32, #tpu.memory_space<vmem>>
    %dma_start3A_349 = tpu.memref_slice %arg4[%mul3A_346] : memref<1048576xf32, #tpu.memory_space<hbm>> -> memref<2048xf32, #tpu.memory_space<hbm>>
    %dma_start3A_350 = tpu.memref_slice %arg4[%mul3A_346] : memref<1048576xf32, #tpu.memory_space<hbm>> -> memref<2048xf32, #tpu.memory_space<hbm>>
    %dma_start3A_351 = arith.constant 26624 : i32
    %dma_start3A_352 = tpu.memref_slice %arg7[%dma_start3A_351] : memref<32768xf32, #tpu.memory_space<vmem>> -> memref<2048xf32, #tpu.memory_space<vmem>>
    tpu.enqueue_dma source(%dma_start3A_352 : memref<2048xf32, #tpu.memory_space<vmem>>) target(%dma_start3A_350 : memref<2048xf32, #tpu.memory_space<hbm>>) target_semaphore(%arg8 : memref<!tpu.dma_semaphore, #tpu.memory_space<semaphore_mem>>)
    %while3A_353 = arith.constant 0 : i32
    %while3A_354 = arith.constant 64 : i32
    %while3A_355 = arith.constant 0 : i32
    %while3A_356 = arith.subi %while3A_354, %while3A_353 : i32
    %while3A_357 = arith.addi %while3A_353, %while3A_356 : i32
    %while3A_358 = arith.constant 1 : i32
    %while3A_359 = arith.divsi %while3A_356, %while3A_358 : i32
    %while3A_360 = arith.muli %while3A_359, %while3A_358 : i32
    %while3A_361 = arith.addi %while3A_353, %while3A_360 : i32
    %while3A_362 = arith.constant 1 : i32
    %while3A_363 = scf.for %while3A_498 = %while3A_353 to %while3A_361 step %while3A_362 iter_args(%while3A_499 = %while3A_355) -> (i32)  : i32 {
      %mul3A_500 = arith.constant 16 : i32
      %mul3A_501 = arith.muli %while3A_498, %mul3A_500 : i32
      %multiple_of3A = tpu.assume_multiple %mul3A_501, 16 : i32
      %add3A_502 = arith.constant 14336 : i32
      %add3A_503 = arith.addi %multiple_of3A, %add3A_502 : i32
      %get3A = arith.index_cast %add3A_503 : i32 to index
      %get3A_504 = tpu.vector_load %arg6[%get3A] {strides = array<i32>} : memref<16384xi32, #tpu.memory_space<vmem>>, vector<16xi32>,
      %add3A_505 = arith.constant 0 : i32
      %add3A_506 = vector.broadcast %add3A_505 : i32 to vector<16xi32>
      %add3A_507 = arith.addi %get3A_504, %add3A_506 : vector<16xi32>
      %gather3A = tpu.vector_load_idx %arg5[%add3A_507] : memref<2048xf32, #tpu.memory_space<vmem>>[vector<16xi32>], vector<16xf32>,
      %add3A_508 = arith.constant 28672 : i32
      %add3A_509 = arith.addi %multiple_of3A, %add3A_508 : i32
      %swap3A = arith.index_cast %add3A_509 : i32 to index
      %swap3A_510 = tpu.vector_load %arg7[%swap3A] {strides = array<i32>} : memref<32768xf32, #tpu.memory_space<vmem>>, vector<16xf32>,
      tpu.vector_store %arg7[%swap3A], %gather3A {strides = array<i32>} : memref<32768xf32, #tpu.memory_space<vmem>>, vector<16xf32>,
      %add3A_511 = arith.constant 1024 : i32
      %add3A_512 = vector.broadcast %add3A_511 : i32 to vector<16xi32>
      %add3A_513 = arith.addi %get3A_504, %add3A_512 : vector<16xi32>
      %gather3A_514 = tpu.vector_load_idx %arg5[%add3A_513] : memref<2048xf32, #tpu.memory_space<vmem>>[vector<16xi32>], vector<16xf32>,
      %add3A_515 = arith.constant 29696 : i32
      %add3A_516 = arith.addi %multiple_of3A, %add3A_515 : i32
      %swap3A_517 = arith.index_cast %add3A_516 : i32 to index
      %swap3A_518 = tpu.vector_load %arg7[%swap3A_517] {strides = array<i32>} : memref<32768xf32, #tpu.memory_space<vmem>>, vector<16xf32>,
      tpu.vector_store %arg7[%swap3A_517], %gather3A_514 {strides = array<i32>} : memref<32768xf32, #tpu.memory_space<vmem>>, vector<16xf32>,
      %while3A_519 = arith.constant 0 : i32
      scf.yield %while3A_519 : i32
    }
    %while3A_364 = arith.constant 1 : i32
    %while3A_365 = scf.for %while3A_498 = %while3A_361 to %while3A_357 step %while3A_364 iter_args(%while3A_499 = %while3A_363) -> (i32)  : i32 {
      %mul3A_500 = arith.constant 16 : i32
      %mul3A_501 = arith.muli %while3A_498, %mul3A_500 : i32
      %multiple_of3A = tpu.assume_multiple %mul3A_501, 16 : i32
      %add3A_502 = arith.constant 14336 : i32
      %add3A_503 = arith.addi %multiple_of3A, %add3A_502 : i32
      %get3A = arith.index_cast %add3A_503 : i32 to index
      %get3A_504 = tpu.vector_load %arg6[%get3A] {strides = array<i32>} : memref<16384xi32, #tpu.memory_space<vmem>>, vector<16xi32>,
      %add3A_505 = arith.constant 0 : i32
      %add3A_506 = vector.broadcast %add3A_505 : i32 to vector<16xi32>
      %add3A_507 = arith.addi %get3A_504, %add3A_506 : vector<16xi32>
      %gather3A = tpu.vector_load_idx %arg5[%add3A_507] : memref<2048xf32, #tpu.memory_space<vmem>>[vector<16xi32>], vector<16xf32>,
      %add3A_508 = arith.constant 28672 : i32
      %add3A_509 = arith.addi %multiple_of3A, %add3A_508 : i32
      %swap3A = arith.index_cast %add3A_509 : i32 to index
      %swap3A_510 = tpu.vector_load %arg7[%swap3A] {strides = array<i32>} : memref<32768xf32, #tpu.memory_space<vmem>>, vector<16xf32>,
      tpu.vector_store %arg7[%swap3A], %gather3A {strides = array<i32>} : memref<32768xf32, #tpu.memory_space<vmem>>, vector<16xf32>,
      %add3A_511 = arith.constant 1024 : i32
      %add3A_512 = vector.broadcast %add3A_511 : i32 to vector<16xi32>
      %add3A_513 = arith.addi %get3A_504, %add3A_512 : vector<16xi32>
      %gather3A_514 = tpu.vector_load_idx %arg5[%add3A_513] : memref<2048xf32, #tpu.memory_space<vmem>>[vector<16xi32>], vector<16xf32>,
      %add3A_515 = arith.constant 29696 : i32
      %add3A_516 = arith.addi %multiple_of3A, %add3A_515 : i32
      %swap3A_517 = arith.index_cast %add3A_516 : i32 to index
      %swap3A_518 = tpu.vector_load %arg7[%swap3A_517] {strides = array<i32>} : memref<32768xf32, #tpu.memory_space<vmem>>, vector<16xf32>,
      tpu.vector_store %arg7[%swap3A_517], %gather3A_514 {strides = array<i32>} : memref<32768xf32, #tpu.memory_space<vmem>>, vector<16xf32>,
      %while3A_519 = arith.constant 0 : i32
      scf.yield %while3A_519 : i32
    }
    %mul3A_366 = arith.constant 14 : i32
    %mul3A_367 = arith.constant 64 : i32
    %mul3A_368 = arith.muli %mul3A_366, %mul3A_367 : i32
    %add3A_369 = arith.addi %mul3A_368, %mul3A_2 : i32
    %mul3A_370 = arith.constant 1024 : i32
    %mul3A_371 = arith.muli %add3A_369, %mul3A_370 : i32
    %dma_start3A_372 = arith.constant 28672 : i32
    %dma_start3A_373 = tpu.memref_slice %arg7[%dma_start3A_372] : memref<32768xf32, #tpu.memory_space<vmem>> -> memref<2048xf32, #tpu.memory_space<vmem>>
    %dma_start3A_374 = tpu.memref_slice %arg4[%mul3A_371] : memref<1048576xf32, #tpu.memory_space<hbm>> -> memref<2048xf32, #tpu.memory_space<hbm>>
    %dma_start3A_375 = tpu.memref_slice %arg4[%mul3A_371] : memref<1048576xf32, #tpu.memory_space<hbm>> -> memref<2048xf32, #tpu.memory_space<hbm>>
    %dma_start3A_376 = arith.constant 28672 : i32
    %dma_start3A_377 = tpu.memref_slice %arg7[%dma_start3A_376] : memref<32768xf32, #tpu.memory_space<vmem>> -> memref<2048xf32, #tpu.memory_space<vmem>>
    tpu.enqueue_dma source(%dma_start3A_377 : memref<2048xf32, #tpu.memory_space<vmem>>) target(%dma_start3A_375 : memref<2048xf32, #tpu.memory_space<hbm>>) target_semaphore(%arg8 : memref<!tpu.dma_semaphore, #tpu.memory_space<semaphore_mem>>)
    %while3A_378 = arith.constant 0 : i32
    %while3A_379 = arith.constant 64 : i32
    %while3A_380 = arith.constant 0 : i32
    %while3A_381 = arith.subi %while3A_379, %while3A_378 : i32
    %while3A_382 = arith.addi %while3A_378, %while3A_381 : i32
    %while3A_383 = arith.constant 1 : i32
    %while3A_384 = arith.divsi %while3A_381, %while3A_383 : i32
    %while3A_385 = arith.muli %while3A_384, %while3A_383 : i32
    %while3A_386 = arith.addi %while3A_378, %while3A_385 : i32
    %while3A_387 = arith.constant 1 : i32
    %while3A_388 = scf.for %while3A_498 = %while3A_378 to %while3A_386 step %while3A_387 iter_args(%while3A_499 = %while3A_380) -> (i32)  : i32 {
      %mul3A_500 = arith.constant 16 : i32
      %mul3A_501 = arith.muli %while3A_498, %mul3A_500 : i32
      %multiple_of3A = tpu.assume_multiple %mul3A_501, 16 : i32
      %add3A_502 = arith.constant 15360 : i32
      %add3A_503 = arith.addi %multiple_of3A, %add3A_502 : i32
      %get3A = arith.index_cast %add3A_503 : i32 to index
      %get3A_504 = tpu.vector_load %arg6[%get3A] {strides = array<i32>} : memref<16384xi32, #tpu.memory_space<vmem>>, vector<16xi32>,
      %add3A_505 = arith.constant 0 : i32
      %add3A_506 = vector.broadcast %add3A_505 : i32 to vector<16xi32>
      %add3A_507 = arith.addi %get3A_504, %add3A_506 : vector<16xi32>
      %gather3A = tpu.vector_load_idx %arg5[%add3A_507] : memref<2048xf32, #tpu.memory_space<vmem>>[vector<16xi32>], vector<16xf32>,
      %add3A_508 = arith.constant 30720 : i32
      %add3A_509 = arith.addi %multiple_of3A, %add3A_508 : i32
      %swap3A = arith.index_cast %add3A_509 : i32 to index
      %swap3A_510 = tpu.vector_load %arg7[%swap3A] {strides = array<i32>} : memref<32768xf32, #tpu.memory_space<vmem>>, vector<16xf32>,
      tpu.vector_store %arg7[%swap3A], %gather3A {strides = array<i32>} : memref<32768xf32, #tpu.memory_space<vmem>>, vector<16xf32>,
      %add3A_511 = arith.constant 1024 : i32
      %add3A_512 = vector.broadcast %add3A_511 : i32 to vector<16xi32>
      %add3A_513 = arith.addi %get3A_504, %add3A_512 : vector<16xi32>
      %gather3A_514 = tpu.vector_load_idx %arg5[%add3A_513] : memref<2048xf32, #tpu.memory_space<vmem>>[vector<16xi32>], vector<16xf32>,
      %add3A_515 = arith.constant 31744 : i32
      %add3A_516 = arith.addi %multiple_of3A, %add3A_515 : i32
      %swap3A_517 = arith.index_cast %add3A_516 : i32 to index
      %swap3A_518 = tpu.vector_load %arg7[%swap3A_517] {strides = array<i32>} : memref<32768xf32, #tpu.memory_space<vmem>>, vector<16xf32>,
      tpu.vector_store %arg7[%swap3A_517], %gather3A_514 {strides = array<i32>} : memref<32768xf32, #tpu.memory_space<vmem>>, vector<16xf32>,
      %while3A_519 = arith.constant 0 : i32
      scf.yield %while3A_519 : i32
    }
    %while3A_389 = arith.constant 1 : i32
    %while3A_390 = scf.for %while3A_498 = %while3A_386 to %while3A_382 step %while3A_389 iter_args(%while3A_499 = %while3A_388) -> (i32)  : i32 {
      %mul3A_500 = arith.constant 16 : i32
      %mul3A_501 = arith.muli %while3A_498, %mul3A_500 : i32
      %multiple_of3A = tpu.assume_multiple %mul3A_501, 16 : i32
      %add3A_502 = arith.constant 15360 : i32
      %add3A_503 = arith.addi %multiple_of3A, %add3A_502 : i32
      %get3A = arith.index_cast %add3A_503 : i32 to index
      %get3A_504 = tpu.vector_load %arg6[%get3A] {strides = array<i32>} : memref<16384xi32, #tpu.memory_space<vmem>>, vector<16xi32>,
      %add3A_505 = arith.constant 0 : i32
      %add3A_506 = vector.broadcast %add3A_505 : i32 to vector<16xi32>
      %add3A_507 = arith.addi %get3A_504, %add3A_506 : vector<16xi32>
      %gather3A = tpu.vector_load_idx %arg5[%add3A_507] : memref<2048xf32, #tpu.memory_space<vmem>>[vector<16xi32>], vector<16xf32>,
      %add3A_508 = arith.constant 30720 : i32
      %add3A_509 = arith.addi %multiple_of3A, %add3A_508 : i32
      %swap3A = arith.index_cast %add3A_509 : i32 to index
      %swap3A_510 = tpu.vector_load %arg7[%swap3A] {strides = array<i32>} : memref<32768xf32, #tpu.memory_space<vmem>>, vector<16xf32>,
      tpu.vector_store %arg7[%swap3A], %gather3A {strides = array<i32>} : memref<32768xf32, #tpu.memory_space<vmem>>, vector<16xf32>,
      %add3A_511 = arith.constant 1024 : i32
      %add3A_512 = vector.broadcast %add3A_511 : i32 to vector<16xi32>
      %add3A_513 = arith.addi %get3A_504, %add3A_512 : vector<16xi32>
      %gather3A_514 = tpu.vector_load_idx %arg5[%add3A_513] : memref<2048xf32, #tpu.memory_space<vmem>>[vector<16xi32>], vector<16xf32>,
      %add3A_515 = arith.constant 31744 : i32
      %add3A_516 = arith.addi %multiple_of3A, %add3A_515 : i32
      %swap3A_517 = arith.index_cast %add3A_516 : i32 to index
      %swap3A_518 = tpu.vector_load %arg7[%swap3A_517] {strides = array<i32>} : memref<32768xf32, #tpu.memory_space<vmem>>, vector<16xf32>,
      tpu.vector_store %arg7[%swap3A_517], %gather3A_514 {strides = array<i32>} : memref<32768xf32, #tpu.memory_space<vmem>>, vector<16xf32>,
      %while3A_519 = arith.constant 0 : i32
      scf.yield %while3A_519 : i32
    }
    %mul3A_391 = arith.constant 15 : i32
    %mul3A_392 = arith.constant 64 : i32
    %mul3A_393 = arith.muli %mul3A_391, %mul3A_392 : i32
    %add3A_394 = arith.addi %mul3A_393, %mul3A_2 : i32
    %mul3A_395 = arith.constant 1024 : i32
    %mul3A_396 = arith.muli %add3A_394, %mul3A_395 : i32
    %dma_start3A_397 = arith.constant 30720 : i32
    %dma_start3A_398 = tpu.memref_slice %arg7[%dma_start3A_397] : memref<32768xf32, #tpu.memory_space<vmem>> -> memref<2048xf32, #tpu.memory_space<vmem>>
    %dma_start3A_399 = tpu.memref_slice %arg4[%mul3A_396] : memref<1048576xf32, #tpu.memory_space<hbm>> -> memref<2048xf32, #tpu.memory_space<hbm>>
    %dma_start3A_400 = tpu.memref_slice %arg4[%mul3A_396] : memref<1048576xf32, #tpu.memory_space<hbm>> -> memref<2048xf32, #tpu.memory_space<hbm>>
    %dma_start3A_401 = arith.constant 30720 : i32
    %dma_start3A_402 = tpu.memref_slice %arg7[%dma_start3A_401] : memref<32768xf32, #tpu.memory_space<vmem>> -> memref<2048xf32, #tpu.memory_space<vmem>>
    tpu.enqueue_dma source(%dma_start3A_402 : memref<2048xf32, #tpu.memory_space<vmem>>) target(%dma_start3A_400 : memref<2048xf32, #tpu.memory_space<hbm>>) target_semaphore(%arg8 : memref<!tpu.dma_semaphore, #tpu.memory_space<semaphore_mem>>)
    %dma_wait3A = arith.constant 0 : i32
    %dma_wait3A_403 = tpu.memref_slice %arg7[%dma_wait3A] : memref<32768xf32, #tpu.memory_space<vmem>> -> memref<2048xf32, #tpu.memory_space<vmem>>
    %dma_wait3A_404 = tpu.memref_slice %arg4[%mul3A_22] : memref<1048576xf32, #tpu.memory_space<hbm>> -> memref<2048xf32, #tpu.memory_space<hbm>>
    %dma_wait3A_405 = tpu.memref_slice %arg4[%mul3A_22] : memref<1048576xf32, #tpu.memory_space<hbm>> -> memref<2048xf32, #tpu.memory_space<hbm>>
    %dma_wait3A_406 = arith.constant 0 : i32
    %dma_wait3A_407 = tpu.memref_slice %arg7[%dma_wait3A_406] : memref<32768xf32, #tpu.memory_space<vmem>> -> memref<2048xf32, #tpu.memory_space<vmem>>
    tpu.wait_dma2 semaphore(%arg8 : memref<!tpu.dma_semaphore, #tpu.memory_space<semaphore_mem>>) src(%dma_wait3A_407 : memref<2048xf32, #tpu.memory_space<vmem>>) dst(%dma_wait3A_405 : memref<2048xf32, #tpu.memory_space<hbm>>)
    %dma_wait3A_408 = arith.constant 2048 : i32
    %dma_wait3A_409 = tpu.memref_slice %arg7[%dma_wait3A_408] : memref<32768xf32, #tpu.memory_space<vmem>> -> memref<2048xf32, #tpu.memory_space<vmem>>
    %dma_wait3A_410 = tpu.memref_slice %arg4[%mul3A_46] : memref<1048576xf32, #tpu.memory_space<hbm>> -> memref<2048xf32, #tpu.memory_space<hbm>>
    %dma_wait3A_411 = tpu.memref_slice %arg4[%mul3A_46] : memref<1048576xf32, #tpu.memory_space<hbm>> -> memref<2048xf32, #tpu.memory_space<hbm>>
    %dma_wait3A_412 = arith.constant 2048 : i32
    %dma_wait3A_413 = tpu.memref_slice %arg7[%dma_wait3A_412] : memref<32768xf32, #tpu.memory_space<vmem>> -> memref<2048xf32, #tpu.memory_space<vmem>>
    tpu.wait_dma2 semaphore(%arg8 : memref<!tpu.dma_semaphore, #tpu.memory_space<semaphore_mem>>) src(%dma_wait3A_413 : memref<2048xf32, #tpu.memory_space<vmem>>) dst(%dma_wait3A_411 : memref<2048xf32, #tpu.memory_space<hbm>>)
    %dma_wait3A_414 = arith.constant 4096 : i32
    %dma_wait3A_415 = tpu.memref_slice %arg7[%dma_wait3A_414] : memref<32768xf32, #tpu.memory_space<vmem>> -> memref<2048xf32, #tpu.memory_space<vmem>>
    %dma_wait3A_416 = tpu.memref_slice %arg4[%mul3A_71] : memref<1048576xf32, #tpu.memory_space<hbm>> -> memref<2048xf32, #tpu.memory_space<hbm>>
    %dma_wait3A_417 = tpu.memref_slice %arg4[%mul3A_71] : memref<1048576xf32, #tpu.memory_space<hbm>> -> memref<2048xf32, #tpu.memory_space<hbm>>
    %dma_wait3A_418 = arith.constant 4096 : i32
    %dma_wait3A_419 = tpu.memref_slice %arg7[%dma_wait3A_418] : memref<32768xf32, #tpu.memory_space<vmem>> -> memref<2048xf32, #tpu.memory_space<vmem>>
    tpu.wait_dma2 semaphore(%arg8 : memref<!tpu.dma_semaphore, #tpu.memory_space<semaphore_mem>>) src(%dma_wait3A_419 : memref<2048xf32, #tpu.memory_space<vmem>>) dst(%dma_wait3A_417 : memref<2048xf32, #tpu.memory_space<hbm>>)
    %dma_wait3A_420 = arith.constant 6144 : i32
    %dma_wait3A_421 = tpu.memref_slice %arg7[%dma_wait3A_420] : memref<32768xf32, #tpu.memory_space<vmem>> -> memref<2048xf32, #tpu.memory_space<vmem>>
    %dma_wait3A_422 = tpu.memref_slice %arg4[%mul3A_96] : memref<1048576xf32, #tpu.memory_space<hbm>> -> memref<2048xf32, #tpu.memory_space<hbm>>
    %dma_wait3A_423 = tpu.memref_slice %arg4[%mul3A_96] : memref<1048576xf32, #tpu.memory_space<hbm>> -> memref<2048xf32, #tpu.memory_space<hbm>>
    %dma_wait3A_424 = arith.constant 6144 : i32
    %dma_wait3A_425 = tpu.memref_slice %arg7[%dma_wait3A_424] : memref<32768xf32, #tpu.memory_space<vmem>> -> memref<2048xf32, #tpu.memory_space<vmem>>
    tpu.wait_dma2 semaphore(%arg8 : memref<!tpu.dma_semaphore, #tpu.memory_space<semaphore_mem>>) src(%dma_wait3A_425 : memref<2048xf32, #tpu.memory_space<vmem>>) dst(%dma_wait3A_423 : memref<2048xf32, #tpu.memory_space<hbm>>)
    %dma_wait3A_426 = arith.constant 8192 : i32
    %dma_wait3A_427 = tpu.memref_slice %arg7[%dma_wait3A_426] : memref<32768xf32, #tpu.memory_space<vmem>> -> memref<2048xf32, #tpu.memory_space<vmem>>
    %dma_wait3A_428 = tpu.memref_slice %arg4[%mul3A_121] : memref<1048576xf32, #tpu.memory_space<hbm>> -> memref<2048xf32, #tpu.memory_space<hbm>>
    %dma_wait3A_429 = tpu.memref_slice %arg4[%mul3A_121] : memref<1048576xf32, #tpu.memory_space<hbm>> -> memref<2048xf32, #tpu.memory_space<hbm>>
    %dma_wait3A_430 = arith.constant 8192 : i32
    %dma_wait3A_431 = tpu.memref_slice %arg7[%dma_wait3A_430] : memref<32768xf32, #tpu.memory_space<vmem>> -> memref<2048xf32, #tpu.memory_space<vmem>>
    tpu.wait_dma2 semaphore(%arg8 : memref<!tpu.dma_semaphore, #tpu.memory_space<semaphore_mem>>) src(%dma_wait3A_431 : memref<2048xf32, #tpu.memory_space<vmem>>) dst(%dma_wait3A_429 : memref<2048xf32, #tpu.memory_space<hbm>>)
    %dma_wait3A_432 = arith.constant 10240 : i32
    %dma_wait3A_433 = tpu.memref_slice %arg7[%dma_wait3A_432] : memref<32768xf32, #tpu.memory_space<vmem>> -> memref<2048xf32, #tpu.memory_space<vmem>>
    %dma_wait3A_434 = tpu.memref_slice %arg4[%mul3A_146] : memref<1048576xf32, #tpu.memory_space<hbm>> -> memref<2048xf32, #tpu.memory_space<hbm>>
    %dma_wait3A_435 = tpu.memref_slice %arg4[%mul3A_146] : memref<1048576xf32, #tpu.memory_space<hbm>> -> memref<2048xf32, #tpu.memory_space<hbm>>
    %dma_wait3A_436 = arith.constant 10240 : i32
    %dma_wait3A_437 = tpu.memref_slice %arg7[%dma_wait3A_436] : memref<32768xf32, #tpu.memory_space<vmem>> -> memref<2048xf32, #tpu.memory_space<vmem>>
    tpu.wait_dma2 semaphore(%arg8 : memref<!tpu.dma_semaphore, #tpu.memory_space<semaphore_mem>>) src(%dma_wait3A_437 : memref<2048xf32, #tpu.memory_space<vmem>>) dst(%dma_wait3A_435 : memref<2048xf32, #tpu.memory_space<hbm>>)
    %dma_wait3A_438 = arith.constant 12288 : i32
    %dma_wait3A_439 = tpu.memref_slice %arg7[%dma_wait3A_438] : memref<32768xf32, #tpu.memory_space<vmem>> -> memref<2048xf32, #tpu.memory_space<vmem>>
    %dma_wait3A_440 = tpu.memref_slice %arg4[%mul3A_171] : memref<1048576xf32, #tpu.memory_space<hbm>> -> memref<2048xf32, #tpu.memory_space<hbm>>
    %dma_wait3A_441 = tpu.memref_slice %arg4[%mul3A_171] : memref<1048576xf32, #tpu.memory_space<hbm>> -> memref<2048xf32, #tpu.memory_space<hbm>>
    %dma_wait3A_442 = arith.constant 12288 : i32
    %dma_wait3A_443 = tpu.memref_slice %arg7[%dma_wait3A_442] : memref<32768xf32, #tpu.memory_space<vmem>> -> memref<2048xf32, #tpu.memory_space<vmem>>
    tpu.wait_dma2 semaphore(%arg8 : memref<!tpu.dma_semaphore, #tpu.memory_space<semaphore_mem>>) src(%dma_wait3A_443 : memref<2048xf32, #tpu.memory_space<vmem>>) dst(%dma_wait3A_441 : memref<2048xf32, #tpu.memory_space<hbm>>)
    %dma_wait3A_444 = arith.constant 14336 : i32
    %dma_wait3A_445 = tpu.memref_slice %arg7[%dma_wait3A_444] : memref<32768xf32, #tpu.memory_space<vmem>> -> memref<2048xf32, #tpu.memory_space<vmem>>
    %dma_wait3A_446 = tpu.memref_slice %arg4[%mul3A_196] : memref<1048576xf32, #tpu.memory_space<hbm>> -> memref<2048xf32, #tpu.memory_space<hbm>>
    %dma_wait3A_447 = tpu.memref_slice %arg4[%mul3A_196] : memref<1048576xf32, #tpu.memory_space<hbm>> -> memref<2048xf32, #tpu.memory_space<hbm>>
    %dma_wait3A_448 = arith.constant 14336 : i32
    %dma_wait3A_449 = tpu.memref_slice %arg7[%dma_wait3A_448] : memref<32768xf32, #tpu.memory_space<vmem>> -> memref<2048xf32, #tpu.memory_space<vmem>>
    tpu.wait_dma2 semaphore(%arg8 : memref<!tpu.dma_semaphore, #tpu.memory_space<semaphore_mem>>) src(%dma_wait3A_449 : memref<2048xf32, #tpu.memory_space<vmem>>) dst(%dma_wait3A_447 : memref<2048xf32, #tpu.memory_space<hbm>>)
    %dma_wait3A_450 = arith.constant 16384 : i32
    %dma_wait3A_451 = tpu.memref_slice %arg7[%dma_wait3A_450] : memref<32768xf32, #tpu.memory_space<vmem>> -> memref<2048xf32, #tpu.memory_space<vmem>>
    %dma_wait3A_452 = tpu.memref_slice %arg4[%mul3A_221] : memref<1048576xf32, #tpu.memory_space<hbm>> -> memref<2048xf32, #tpu.memory_space<hbm>>
    %dma_wait3A_453 = tpu.memref_slice %arg4[%mul3A_221] : memref<1048576xf32, #tpu.memory_space<hbm>> -> memref<2048xf32, #tpu.memory_space<hbm>>
    %dma_wait3A_454 = arith.constant 16384 : i32
    %dma_wait3A_455 = tpu.memref_slice %arg7[%dma_wait3A_454] : memref<32768xf32, #tpu.memory_space<vmem>> -> memref<2048xf32, #tpu.memory_space<vmem>>
    tpu.wait_dma2 semaphore(%arg8 : memref<!tpu.dma_semaphore, #tpu.memory_space<semaphore_mem>>) src(%dma_wait3A_455 : memref<2048xf32, #tpu.memory_space<vmem>>) dst(%dma_wait3A_453 : memref<2048xf32, #tpu.memory_space<hbm>>)
    %dma_wait3A_456 = arith.constant 18432 : i32
    %dma_wait3A_457 = tpu.memref_slice %arg7[%dma_wait3A_456] : memref<32768xf32, #tpu.memory_space<vmem>> -> memref<2048xf32, #tpu.memory_space<vmem>>
    %dma_wait3A_458 = tpu.memref_slice %arg4[%mul3A_246] : memref<1048576xf32, #tpu.memory_space<hbm>> -> memref<2048xf32, #tpu.memory_space<hbm>>
    %dma_wait3A_459 = tpu.memref_slice %arg4[%mul3A_246] : memref<1048576xf32, #tpu.memory_space<hbm>> -> memref<2048xf32, #tpu.memory_space<hbm>>
    %dma_wait3A_460 = arith.constant 18432 : i32
    %dma_wait3A_461 = tpu.memref_slice %arg7[%dma_wait3A_460] : memref<32768xf32, #tpu.memory_space<vmem>> -> memref<2048xf32, #tpu.memory_space<vmem>>
    tpu.wait_dma2 semaphore(%arg8 : memref<!tpu.dma_semaphore, #tpu.memory_space<semaphore_mem>>) src(%dma_wait3A_461 : memref<2048xf32, #tpu.memory_space<vmem>>) dst(%dma_wait3A_459 : memref<2048xf32, #tpu.memory_space<hbm>>)
    %dma_wait3A_462 = arith.constant 20480 : i32
    %dma_wait3A_463 = tpu.memref_slice %arg7[%dma_wait3A_462] : memref<32768xf32, #tpu.memory_space<vmem>> -> memref<2048xf32, #tpu.memory_space<vmem>>
    %dma_wait3A_464 = tpu.memref_slice %arg4[%mul3A_271] : memref<1048576xf32, #tpu.memory_space<hbm>> -> memref<2048xf32, #tpu.memory_space<hbm>>
    %dma_wait3A_465 = tpu.memref_slice %arg4[%mul3A_271] : memref<1048576xf32, #tpu.memory_space<hbm>> -> memref<2048xf32, #tpu.memory_space<hbm>>
    %dma_wait3A_466 = arith.constant 20480 : i32
    %dma_wait3A_467 = tpu.memref_slice %arg7[%dma_wait3A_466] : memref<32768xf32, #tpu.memory_space<vmem>> -> memref<2048xf32, #tpu.memory_space<vmem>>
    tpu.wait_dma2 semaphore(%arg8 : memref<!tpu.dma_semaphore, #tpu.memory_space<semaphore_mem>>) src(%dma_wait3A_467 : memref<2048xf32, #tpu.memory_space<vmem>>) dst(%dma_wait3A_465 : memref<2048xf32, #tpu.memory_space<hbm>>)
    %dma_wait3A_468 = arith.constant 22528 : i32
    %dma_wait3A_469 = tpu.memref_slice %arg7[%dma_wait3A_468] : memref<32768xf32, #tpu.memory_space<vmem>> -> memref<2048xf32, #tpu.memory_space<vmem>>
    %dma_wait3A_470 = tpu.memref_slice %arg4[%mul3A_296] : memref<1048576xf32, #tpu.memory_space<hbm>> -> memref<2048xf32, #tpu.memory_space<hbm>>
    %dma_wait3A_471 = tpu.memref_slice %arg4[%mul3A_296] : memref<1048576xf32, #tpu.memory_space<hbm>> -> memref<2048xf32, #tpu.memory_space<hbm>>
    %dma_wait3A_472 = arith.constant 22528 : i32
    %dma_wait3A_473 = tpu.memref_slice %arg7[%dma_wait3A_472] : memref<32768xf32, #tpu.memory_space<vmem>> -> memref<2048xf32, #tpu.memory_space<vmem>>
    tpu.wait_dma2 semaphore(%arg8 : memref<!tpu.dma_semaphore, #tpu.memory_space<semaphore_mem>>) src(%dma_wait3A_473 : memref<2048xf32, #tpu.memory_space<vmem>>) dst(%dma_wait3A_471 : memref<2048xf32, #tpu.memory_space<hbm>>)
    %dma_wait3A_474 = arith.constant 24576 : i32
    %dma_wait3A_475 = tpu.memref_slice %arg7[%dma_wait3A_474] : memref<32768xf32, #tpu.memory_space<vmem>> -> memref<2048xf32, #tpu.memory_space<vmem>>
    %dma_wait3A_476 = tpu.memref_slice %arg4[%mul3A_321] : memref<1048576xf32, #tpu.memory_space<hbm>> -> memref<2048xf32, #tpu.memory_space<hbm>>
    %dma_wait3A_477 = tpu.memref_slice %arg4[%mul3A_321] : memref<1048576xf32, #tpu.memory_space<hbm>> -> memref<2048xf32, #tpu.memory_space<hbm>>
    %dma_wait3A_478 = arith.constant 24576 : i32
    %dma_wait3A_479 = tpu.memref_slice %arg7[%dma_wait3A_478] : memref<32768xf32, #tpu.memory_space<vmem>> -> memref<2048xf32, #tpu.memory_space<vmem>>
    tpu.wait_dma2 semaphore(%arg8 : memref<!tpu.dma_semaphore, #tpu.memory_space<semaphore_mem>>) src(%dma_wait3A_479 : memref<2048xf32, #tpu.memory_space<vmem>>) dst(%dma_wait3A_477 : memref<2048xf32, #tpu.memory_space<hbm>>)
    %dma_wait3A_480 = arith.constant 26624 : i32
    %dma_wait3A_481 = tpu.memref_slice %arg7[%dma_wait3A_480] : memref<32768xf32, #tpu.memory_space<vmem>> -> memref<2048xf32, #tpu.memory_space<vmem>>
    %dma_wait3A_482 = tpu.memref_slice %arg4[%mul3A_346] : memref<1048576xf32, #tpu.memory_space<hbm>> -> memref<2048xf32, #tpu.memory_space<hbm>>
    %dma_wait3A_483 = tpu.memref_slice %arg4[%mul3A_346] : memref<1048576xf32, #tpu.memory_space<hbm>> -> memref<2048xf32, #tpu.memory_space<hbm>>
    %dma_wait3A_484 = arith.constant 26624 : i32
    %dma_wait3A_485 = tpu.memref_slice %arg7[%dma_wait3A_484] : memref<32768xf32, #tpu.memory_space<vmem>> -> memref<2048xf32, #tpu.memory_space<vmem>>
    tpu.wait_dma2 semaphore(%arg8 : memref<!tpu.dma_semaphore, #tpu.memory_space<semaphore_mem>>) src(%dma_wait3A_485 : memref<2048xf32, #tpu.memory_space<vmem>>) dst(%dma_wait3A_483 : memref<2048xf32, #tpu.memory_space<hbm>>)
    %dma_wait3A_486 = arith.constant 28672 : i32
    %dma_wait3A_487 = tpu.memref_slice %arg7[%dma_wait3A_486] : memref<32768xf32, #tpu.memory_space<vmem>> -> memref<2048xf32, #tpu.memory_space<vmem>>
    %dma_wait3A_488 = tpu.memref_slice %arg4[%mul3A_371] : memref<1048576xf32, #tpu.memory_space<hbm>> -> memref<2048xf32, #tpu.memory_space<hbm>>
    %dma_wait3A_489 = tpu.memref_slice %arg4[%mul3A_371] : memref<1048576xf32, #tpu.memory_space<hbm>> -> memref<2048xf32, #tpu.memory_space<hbm>>
    %dma_wait3A_490 = arith.constant 28672 : i32
    %dma_wait3A_491 = tpu.memref_slice %arg7[%dma_wait3A_490] : memref<32768xf32, #tpu.memory_space<vmem>> -> memref<2048xf32, #tpu.memory_space<vmem>>
    tpu.wait_dma2 semaphore(%arg8 : memref<!tpu.dma_semaphore, #tpu.memory_space<semaphore_mem>>) src(%dma_wait3A_491 : memref<2048xf32, #tpu.memory_space<vmem>>) dst(%dma_wait3A_489 : memref<2048xf32, #tpu.memory_space<hbm>>)
    %dma_wait3A_492 = arith.constant 30720 : i32
    %dma_wait3A_493 = tpu.memref_slice %arg7[%dma_wait3A_492] : memref<32768xf32, #tpu.memory_space<vmem>> -> memref<2048xf32, #tpu.memory_space<vmem>>
    %dma_wait3A_494 = tpu.memref_slice %arg4[%mul3A_396] : memref<1048576xf32, #tpu.memory_space<hbm>> -> memref<2048xf32, #tpu.memory_space<hbm>>
    %dma_wait3A_495 = tpu.memref_slice %arg4[%mul3A_396] : memref<1048576xf32, #tpu.memory_space<hbm>> -> memref<2048xf32, #tpu.memory_space<hbm>>
    %dma_wait3A_496 = arith.constant 30720 : i32
    %dma_wait3A_497 = tpu.memref_slice %arg7[%dma_wait3A_496] : memref<32768xf32, #tpu.memory_space<vmem>> -> memref<2048xf32, #tpu.memory_space<vmem>>
    tpu.wait_dma2 semaphore(%arg8 : memref<!tpu.dma_semaphore, #tpu.memory_space<semaphore_mem>>) src(%dma_wait3A_497 : memref<2048xf32, #tpu.memory_space<vmem>>) dst(%dma_wait3A_495 : memref<2048xf32, #tpu.memory_space<hbm>>)
    return
  }
}

module attributes {stable_mosaic.version = 14 : i64} {
  func.func @_tc_body(%arg0: i32, %arg1: memref<2x64x1024xf32, #tpu.memory_space<vmem>>, %arg2: memref<1024x64xf32, #tpu.memory_space<vmem>>, %arg3: memref<1x1x2048xi32, #tpu.memory_space<vmem>>, %arg4: memref<1x1xf32, #tpu.memory_space<vmem>>) attributes {dimension_semantics = [#tpu.dimension_semantics<arbitrary>], iteration_bounds = array<i64: 8>, scalar_prefetch = 0 : i64, scratch_operands = 0 : i64, tpu.core_type = #tpu.core_type<tc>, window_params = [{transform_indices = @transform_0, window_bounds = array<i64: 2, 64, 1024>}, {pipeline_mode = #tpu.pipeline_mode<synchronous>, transform_indices = @transform_1, window_bounds = array<i64: 1024, 64>}, {transform_indices = @transform_2, window_bounds = array<i64: 1, 1, 2048>}, {pipeline_mode = #tpu.pipeline_mode<synchronous>, transform_indices = @transform_3, window_bounds = array<i64: 1, 1>}]} {
    %get3A = arith.constant 0 : index
    %get3A_0 = arith.constant 0 : index
    %get3A_1 = arith.constant 0 : index
    %get3A_2 = vector.load %arg1[%get3A, %get3A_0, %get3A_1] : memref<2x64x1024xf32, #tpu.memory_space<vmem>>, vector<1x64x1024xf32>
    %get3A_3 = vector.shape_cast %get3A_2 : vector<1x64x1024xf32> to vector<64x1024xf32>
    %get3A_4 = arith.constant 1 : index
    %get3A_5 = arith.constant 0 : index
    %get3A_6 = arith.constant 0 : index
    %get3A_7 = vector.load %arg1[%get3A_4, %get3A_5, %get3A_6] : memref<2x64x1024xf32, #tpu.memory_space<vmem>>, vector<1x64x1024xf32>
    %get3A_8 = vector.shape_cast %get3A_7 : vector<1x64x1024xf32> to vector<64x1024xf32>
    %concatenate3A = tpu.concatenate %get3A_3, %get3A_8 in 1 : vector<64x1024xf32>, vector<64x1024xf32> -> vector<64x2048xf32>
    %get3A_9 = arith.constant 0 : index
    %get3A_10 = arith.constant 0 : index
    %get3A_11 = vector.load %arg2[%get3A_9, %get3A_10] : memref<1024x64xf32, #tpu.memory_space<vmem>>, vector<1024x64xf32>
    %mul3A = arith.mulf %get3A_11, %get3A_11 : vector<1024x64xf32>
    %reduce_sum3A = arith.constant dense<0.000000e+00> : vector<1024xf32>
    %reduce_sum3A_12 = vector.multi_reduction <add>, %mul3A, %reduce_sum3A [1] : vector<1024x64xf32> to vector<1024xf32>
    %mul3A_13 = arith.constant -2.000000e+00 : f32
    %mul3A_14 = vector.broadcast %mul3A_13 : f32 to vector<1024x64xf32>
    %mul3A_15 = arith.mulf %mul3A_14, %get3A_11 : vector<1024x64xf32>
    %broadcast_in_dim3A = vector.shape_cast %reduce_sum3A_12 : vector<1024xf32> to vector<1024x1xf32>
    %concatenate3A_16 = tpu.concatenate %mul3A_15, %broadcast_in_dim3A in 1 : vector<1024x64xf32>, vector<1024x1xf32> -> vector<1024x65xf32>
    %broadcast_in_dim3A_17 = arith.constant 1.000000e+00 : f32
    %broadcast_in_dim3A_18 = vector.broadcast %broadcast_in_dim3A_17 : f32 to vector<1x2048xf32>
    %concatenate3A_19 = tpu.concatenate %concatenate3A, %broadcast_in_dim3A_18 in 0 : vector<64x2048xf32>, vector<1x2048xf32> -> vector<65x2048xf32>
    %broadcast_in_dim3A_20 = arith.constant 3.000000e+38 : f32
    %broadcast_in_dim3A_21 = vector.broadcast %broadcast_in_dim3A_20 : f32 to vector<2048xf32>
    %broadcast_in_dim3A_22 = arith.constant 1024 : i32
    %broadcast_in_dim3A_23 = vector.broadcast %broadcast_in_dim3A_22 : i32 to vector<2048xi32>
    %iota3A = tpu.iota {dimensions = array<i32: 0>} : vector<128x2048xi32>
    %slice3A = vector.extract_strided_slice %concatenate3A_16 {offsets = [0, 0], sizes = [128, 65], strides = [1, 1]} : vector<1024x65xf32> to vector<128x65xf32>
    %dot_general3A = arith.constant dense<0.000000e+00> : vector<128x2048xf32>
    %dot_general3A_24 = tpu.matmul %slice3A, %concatenate3A_19, %dot_general3A {dimension_numbers = #tpu.dot_dimension_numbers<[1], [0], [0], [1], [0, 0, 1, 1], [], []>, precision = #tpu.contract_precision<fp32>, transpose_lhs_hint = false} : vector<128x65xf32>, vector<65x2048xf32>, vector<128x2048xf32> -> vector<128x2048xf32>
    %reduce_min3A = arith.constant dense<0x7F800000> : vector<2048xf32>
    %reduce_min3A_25 = vector.multi_reduction <minimumf>, %dot_general3A_24, %reduce_min3A [0] : vector<128x2048xf32> to vector<2048xf32>
    %broadcast_in_dim3A_26 = vector.shape_cast %reduce_min3A_25 : vector<2048xf32> to vector<1x2048xf32>
    %eq3A = vector.broadcast %broadcast_in_dim3A_26 : vector<1x2048xf32> to vector<128x2048xf32>
    %eq3A_27 = arith.cmpf oeq, %dot_general3A_24, %eq3A : vector<128x2048xf32>
    %jit3A = arith.constant 1024 : i32
    %broadcast_in_dim3A_28 = vector.broadcast %jit3A : i32 to vector<128x2048xi32>
    %select_n3A = arith.select %eq3A_27, %iota3A, %broadcast_in_dim3A_28 : vector<128x2048xi1>, vector<128x2048xi32>
    %reduce_min3A_29 = arith.constant dense<2147483647> : vector<2048xi32>
    %reduce_min3A_30 = vector.multi_reduction <minsi>, %select_n3A, %reduce_min3A_29 [0] : vector<128x2048xi32> to vector<2048xi32>
    %add3A = arith.constant 0 : i32
    %add3A_31 = vector.broadcast %add3A : i32 to vector<2048xi32>
    %add3A_32 = arith.addi %reduce_min3A_30, %add3A_31 : vector<2048xi32>
    %lt3A = arith.cmpf olt, %reduce_min3A_25, %broadcast_in_dim3A_21 : vector<2048xf32>
    %select_n3A_33 = arith.select %lt3A, %add3A_32, %broadcast_in_dim3A_23 : vector<2048xi1>, vector<2048xi32>
    %select_n3A_34 = arith.select %lt3A, %reduce_min3A_25, %broadcast_in_dim3A_21 : vector<2048xi1>, vector<2048xf32>
    %slice3A_35 = vector.extract_strided_slice %concatenate3A_16 {offsets = [128, 0], sizes = [128, 65], strides = [1, 1]} : vector<1024x65xf32> to vector<128x65xf32>
    %dot_general3A_36 = arith.constant dense<0.000000e+00> : vector<128x2048xf32>
    %dot_general3A_37 = tpu.matmul %slice3A_35, %concatenate3A_19, %dot_general3A_36 {dimension_numbers = #tpu.dot_dimension_numbers<[1], [0], [0], [1], [0, 0, 1, 1], [], []>, precision = #tpu.contract_precision<fp32>, transpose_lhs_hint = false} : vector<128x65xf32>, vector<65x2048xf32>, vector<128x2048xf32> -> vector<128x2048xf32>
    %reduce_min3A_38 = arith.constant dense<0x7F800000> : vector<2048xf32>
    %reduce_min3A_39 = vector.multi_reduction <minimumf>, %dot_general3A_37, %reduce_min3A_38 [0] : vector<128x2048xf32> to vector<2048xf32>
    %broadcast_in_dim3A_40 = vector.shape_cast %reduce_min3A_39 : vector<2048xf32> to vector<1x2048xf32>
    %eq3A_41 = vector.broadcast %broadcast_in_dim3A_40 : vector<1x2048xf32> to vector<128x2048xf32>
    %eq3A_42 = arith.cmpf oeq, %dot_general3A_37, %eq3A_41 : vector<128x2048xf32>
    %jit3A_43 = arith.constant 1024 : i32
    %broadcast_in_dim3A_44 = vector.broadcast %jit3A_43 : i32 to vector<128x2048xi32>
    %select_n3A_45 = arith.select %eq3A_42, %iota3A, %broadcast_in_dim3A_44 : vector<128x2048xi1>, vector<128x2048xi32>
    %reduce_min3A_46 = arith.constant dense<2147483647> : vector<2048xi32>
    %reduce_min3A_47 = vector.multi_reduction <minsi>, %select_n3A_45, %reduce_min3A_46 [0] : vector<128x2048xi32> to vector<2048xi32>
    %add3A_48 = arith.constant 128 : i32
    %add3A_49 = vector.broadcast %add3A_48 : i32 to vector<2048xi32>
    %add3A_50 = arith.addi %reduce_min3A_47, %add3A_49 : vector<2048xi32>
    %lt3A_51 = arith.cmpf olt, %reduce_min3A_39, %select_n3A_34 : vector<2048xf32>
    %select_n3A_52 = arith.select %lt3A_51, %add3A_50, %select_n3A_33 : vector<2048xi1>, vector<2048xi32>
    %select_n3A_53 = arith.select %lt3A_51, %reduce_min3A_39, %select_n3A_34 : vector<2048xi1>, vector<2048xf32>
    %slice3A_54 = vector.extract_strided_slice %concatenate3A_16 {offsets = [256, 0], sizes = [128, 65], strides = [1, 1]} : vector<1024x65xf32> to vector<128x65xf32>
    %dot_general3A_55 = arith.constant dense<0.000000e+00> : vector<128x2048xf32>
    %dot_general3A_56 = tpu.matmul %slice3A_54, %concatenate3A_19, %dot_general3A_55 {dimension_numbers = #tpu.dot_dimension_numbers<[1], [0], [0], [1], [0, 0, 1, 1], [], []>, precision = #tpu.contract_precision<fp32>, transpose_lhs_hint = false} : vector<128x65xf32>, vector<65x2048xf32>, vector<128x2048xf32> -> vector<128x2048xf32>
    %reduce_min3A_57 = arith.constant dense<0x7F800000> : vector<2048xf32>
    %reduce_min3A_58 = vector.multi_reduction <minimumf>, %dot_general3A_56, %reduce_min3A_57 [0] : vector<128x2048xf32> to vector<2048xf32>
    %broadcast_in_dim3A_59 = vector.shape_cast %reduce_min3A_58 : vector<2048xf32> to vector<1x2048xf32>
    %eq3A_60 = vector.broadcast %broadcast_in_dim3A_59 : vector<1x2048xf32> to vector<128x2048xf32>
    %eq3A_61 = arith.cmpf oeq, %dot_general3A_56, %eq3A_60 : vector<128x2048xf32>
    %jit3A_62 = arith.constant 1024 : i32
    %broadcast_in_dim3A_63 = vector.broadcast %jit3A_62 : i32 to vector<128x2048xi32>
    %select_n3A_64 = arith.select %eq3A_61, %iota3A, %broadcast_in_dim3A_63 : vector<128x2048xi1>, vector<128x2048xi32>
    %reduce_min3A_65 = arith.constant dense<2147483647> : vector<2048xi32>
    %reduce_min3A_66 = vector.multi_reduction <minsi>, %select_n3A_64, %reduce_min3A_65 [0] : vector<128x2048xi32> to vector<2048xi32>
    %add3A_67 = arith.constant 256 : i32
    %add3A_68 = vector.broadcast %add3A_67 : i32 to vector<2048xi32>
    %add3A_69 = arith.addi %reduce_min3A_66, %add3A_68 : vector<2048xi32>
    %lt3A_70 = arith.cmpf olt, %reduce_min3A_58, %select_n3A_53 : vector<2048xf32>
    %select_n3A_71 = arith.select %lt3A_70, %add3A_69, %select_n3A_52 : vector<2048xi1>, vector<2048xi32>
    %select_n3A_72 = arith.select %lt3A_70, %reduce_min3A_58, %select_n3A_53 : vector<2048xi1>, vector<2048xf32>
    %slice3A_73 = vector.extract_strided_slice %concatenate3A_16 {offsets = [384, 0], sizes = [128, 65], strides = [1, 1]} : vector<1024x65xf32> to vector<128x65xf32>
    %dot_general3A_74 = arith.constant dense<0.000000e+00> : vector<128x2048xf32>
    %dot_general3A_75 = tpu.matmul %slice3A_73, %concatenate3A_19, %dot_general3A_74 {dimension_numbers = #tpu.dot_dimension_numbers<[1], [0], [0], [1], [0, 0, 1, 1], [], []>, precision = #tpu.contract_precision<fp32>, transpose_lhs_hint = false} : vector<128x65xf32>, vector<65x2048xf32>, vector<128x2048xf32> -> vector<128x2048xf32>
    %reduce_min3A_76 = arith.constant dense<0x7F800000> : vector<2048xf32>
    %reduce_min3A_77 = vector.multi_reduction <minimumf>, %dot_general3A_75, %reduce_min3A_76 [0] : vector<128x2048xf32> to vector<2048xf32>
    %broadcast_in_dim3A_78 = vector.shape_cast %reduce_min3A_77 : vector<2048xf32> to vector<1x2048xf32>
    %eq3A_79 = vector.broadcast %broadcast_in_dim3A_78 : vector<1x2048xf32> to vector<128x2048xf32>
    %eq3A_80 = arith.cmpf oeq, %dot_general3A_75, %eq3A_79 : vector<128x2048xf32>
    %jit3A_81 = arith.constant 1024 : i32
    %broadcast_in_dim3A_82 = vector.broadcast %jit3A_81 : i32 to vector<128x2048xi32>
    %select_n3A_83 = arith.select %eq3A_80, %iota3A, %broadcast_in_dim3A_82 : vector<128x2048xi1>, vector<128x2048xi32>
    %reduce_min3A_84 = arith.constant dense<2147483647> : vector<2048xi32>
    %reduce_min3A_85 = vector.multi_reduction <minsi>, %select_n3A_83, %reduce_min3A_84 [0] : vector<128x2048xi32> to vector<2048xi32>
    %add3A_86 = arith.constant 384 : i32
    %add3A_87 = vector.broadcast %add3A_86 : i32 to vector<2048xi32>
    %add3A_88 = arith.addi %reduce_min3A_85, %add3A_87 : vector<2048xi32>
    %lt3A_89 = arith.cmpf olt, %reduce_min3A_77, %select_n3A_72 : vector<2048xf32>
    %select_n3A_90 = arith.select %lt3A_89, %add3A_88, %select_n3A_71 : vector<2048xi1>, vector<2048xi32>
    %select_n3A_91 = arith.select %lt3A_89, %reduce_min3A_77, %select_n3A_72 : vector<2048xi1>, vector<2048xf32>
    %slice3A_92 = vector.extract_strided_slice %concatenate3A_16 {offsets = [512, 0], sizes = [128, 65], strides = [1, 1]} : vector<1024x65xf32> to vector<128x65xf32>
    %dot_general3A_93 = arith.constant dense<0.000000e+00> : vector<128x2048xf32>
    %dot_general3A_94 = tpu.matmul %slice3A_92, %concatenate3A_19, %dot_general3A_93 {dimension_numbers = #tpu.dot_dimension_numbers<[1], [0], [0], [1], [0, 0, 1, 1], [], []>, precision = #tpu.contract_precision<fp32>, transpose_lhs_hint = false} : vector<128x65xf32>, vector<65x2048xf32>, vector<128x2048xf32> -> vector<128x2048xf32>
    %reduce_min3A_95 = arith.constant dense<0x7F800000> : vector<2048xf32>
    %reduce_min3A_96 = vector.multi_reduction <minimumf>, %dot_general3A_94, %reduce_min3A_95 [0] : vector<128x2048xf32> to vector<2048xf32>
    %broadcast_in_dim3A_97 = vector.shape_cast %reduce_min3A_96 : vector<2048xf32> to vector<1x2048xf32>
    %eq3A_98 = vector.broadcast %broadcast_in_dim3A_97 : vector<1x2048xf32> to vector<128x2048xf32>
    %eq3A_99 = arith.cmpf oeq, %dot_general3A_94, %eq3A_98 : vector<128x2048xf32>
    %jit3A_100 = arith.constant 1024 : i32
    %broadcast_in_dim3A_101 = vector.broadcast %jit3A_100 : i32 to vector<128x2048xi32>
    %select_n3A_102 = arith.select %eq3A_99, %iota3A, %broadcast_in_dim3A_101 : vector<128x2048xi1>, vector<128x2048xi32>
    %reduce_min3A_103 = arith.constant dense<2147483647> : vector<2048xi32>
    %reduce_min3A_104 = vector.multi_reduction <minsi>, %select_n3A_102, %reduce_min3A_103 [0] : vector<128x2048xi32> to vector<2048xi32>
    %add3A_105 = arith.constant 512 : i32
    %add3A_106 = vector.broadcast %add3A_105 : i32 to vector<2048xi32>
    %add3A_107 = arith.addi %reduce_min3A_104, %add3A_106 : vector<2048xi32>
    %lt3A_108 = arith.cmpf olt, %reduce_min3A_96, %select_n3A_91 : vector<2048xf32>
    %select_n3A_109 = arith.select %lt3A_108, %add3A_107, %select_n3A_90 : vector<2048xi1>, vector<2048xi32>
    %select_n3A_110 = arith.select %lt3A_108, %reduce_min3A_96, %select_n3A_91 : vector<2048xi1>, vector<2048xf32>
    %slice3A_111 = vector.extract_strided_slice %concatenate3A_16 {offsets = [640, 0], sizes = [128, 65], strides = [1, 1]} : vector<1024x65xf32> to vector<128x65xf32>
    %dot_general3A_112 = arith.constant dense<0.000000e+00> : vector<128x2048xf32>
    %dot_general3A_113 = tpu.matmul %slice3A_111, %concatenate3A_19, %dot_general3A_112 {dimension_numbers = #tpu.dot_dimension_numbers<[1], [0], [0], [1], [0, 0, 1, 1], [], []>, precision = #tpu.contract_precision<fp32>, transpose_lhs_hint = false} : vector<128x65xf32>, vector<65x2048xf32>, vector<128x2048xf32> -> vector<128x2048xf32>
    %reduce_min3A_114 = arith.constant dense<0x7F800000> : vector<2048xf32>
    %reduce_min3A_115 = vector.multi_reduction <minimumf>, %dot_general3A_113, %reduce_min3A_114 [0] : vector<128x2048xf32> to vector<2048xf32>
    %broadcast_in_dim3A_116 = vector.shape_cast %reduce_min3A_115 : vector<2048xf32> to vector<1x2048xf32>
    %eq3A_117 = vector.broadcast %broadcast_in_dim3A_116 : vector<1x2048xf32> to vector<128x2048xf32>
    %eq3A_118 = arith.cmpf oeq, %dot_general3A_113, %eq3A_117 : vector<128x2048xf32>
    %jit3A_119 = arith.constant 1024 : i32
    %broadcast_in_dim3A_120 = vector.broadcast %jit3A_119 : i32 to vector<128x2048xi32>
    %select_n3A_121 = arith.select %eq3A_118, %iota3A, %broadcast_in_dim3A_120 : vector<128x2048xi1>, vector<128x2048xi32>
    %reduce_min3A_122 = arith.constant dense<2147483647> : vector<2048xi32>
    %reduce_min3A_123 = vector.multi_reduction <minsi>, %select_n3A_121, %reduce_min3A_122 [0] : vector<128x2048xi32> to vector<2048xi32>
    %add3A_124 = arith.constant 640 : i32
    %add3A_125 = vector.broadcast %add3A_124 : i32 to vector<2048xi32>
    %add3A_126 = arith.addi %reduce_min3A_123, %add3A_125 : vector<2048xi32>
    %lt3A_127 = arith.cmpf olt, %reduce_min3A_115, %select_n3A_110 : vector<2048xf32>
    %select_n3A_128 = arith.select %lt3A_127, %add3A_126, %select_n3A_109 : vector<2048xi1>, vector<2048xi32>
    %select_n3A_129 = arith.select %lt3A_127, %reduce_min3A_115, %select_n3A_110 : vector<2048xi1>, vector<2048xf32>
    %slice3A_130 = vector.extract_strided_slice %concatenate3A_16 {offsets = [768, 0], sizes = [128, 65], strides = [1, 1]} : vector<1024x65xf32> to vector<128x65xf32>
    %dot_general3A_131 = arith.constant dense<0.000000e+00> : vector<128x2048xf32>
    %dot_general3A_132 = tpu.matmul %slice3A_130, %concatenate3A_19, %dot_general3A_131 {dimension_numbers = #tpu.dot_dimension_numbers<[1], [0], [0], [1], [0, 0, 1, 1], [], []>, precision = #tpu.contract_precision<fp32>, transpose_lhs_hint = false} : vector<128x65xf32>, vector<65x2048xf32>, vector<128x2048xf32> -> vector<128x2048xf32>
    %reduce_min3A_133 = arith.constant dense<0x7F800000> : vector<2048xf32>
    %reduce_min3A_134 = vector.multi_reduction <minimumf>, %dot_general3A_132, %reduce_min3A_133 [0] : vector<128x2048xf32> to vector<2048xf32>
    %broadcast_in_dim3A_135 = vector.shape_cast %reduce_min3A_134 : vector<2048xf32> to vector<1x2048xf32>
    %eq3A_136 = vector.broadcast %broadcast_in_dim3A_135 : vector<1x2048xf32> to vector<128x2048xf32>
    %eq3A_137 = arith.cmpf oeq, %dot_general3A_132, %eq3A_136 : vector<128x2048xf32>
    %jit3A_138 = arith.constant 1024 : i32
    %broadcast_in_dim3A_139 = vector.broadcast %jit3A_138 : i32 to vector<128x2048xi32>
    %select_n3A_140 = arith.select %eq3A_137, %iota3A, %broadcast_in_dim3A_139 : vector<128x2048xi1>, vector<128x2048xi32>
    %reduce_min3A_141 = arith.constant dense<2147483647> : vector<2048xi32>
    %reduce_min3A_142 = vector.multi_reduction <minsi>, %select_n3A_140, %reduce_min3A_141 [0] : vector<128x2048xi32> to vector<2048xi32>
    %add3A_143 = arith.constant 768 : i32
    %add3A_144 = vector.broadcast %add3A_143 : i32 to vector<2048xi32>
    %add3A_145 = arith.addi %reduce_min3A_142, %add3A_144 : vector<2048xi32>
    %lt3A_146 = arith.cmpf olt, %reduce_min3A_134, %select_n3A_129 : vector<2048xf32>
    %select_n3A_147 = arith.select %lt3A_146, %add3A_145, %select_n3A_128 : vector<2048xi1>, vector<2048xi32>
    %select_n3A_148 = arith.select %lt3A_146, %reduce_min3A_134, %select_n3A_129 : vector<2048xi1>, vector<2048xf32>
    %slice3A_149 = vector.extract_strided_slice %concatenate3A_16 {offsets = [896, 0], sizes = [128, 65], strides = [1, 1]} : vector<1024x65xf32> to vector<128x65xf32>
    %dot_general3A_150 = arith.constant dense<0.000000e+00> : vector<128x2048xf32>
    %dot_general3A_151 = tpu.matmul %slice3A_149, %concatenate3A_19, %dot_general3A_150 {dimension_numbers = #tpu.dot_dimension_numbers<[1], [0], [0], [1], [0, 0, 1, 1], [], []>, precision = #tpu.contract_precision<fp32>, transpose_lhs_hint = false} : vector<128x65xf32>, vector<65x2048xf32>, vector<128x2048xf32> -> vector<128x2048xf32>
    %reduce_min3A_152 = arith.constant dense<0x7F800000> : vector<2048xf32>
    %reduce_min3A_153 = vector.multi_reduction <minimumf>, %dot_general3A_151, %reduce_min3A_152 [0] : vector<128x2048xf32> to vector<2048xf32>
    %broadcast_in_dim3A_154 = vector.shape_cast %reduce_min3A_153 : vector<2048xf32> to vector<1x2048xf32>
    %eq3A_155 = vector.broadcast %broadcast_in_dim3A_154 : vector<1x2048xf32> to vector<128x2048xf32>
    %eq3A_156 = arith.cmpf oeq, %dot_general3A_151, %eq3A_155 : vector<128x2048xf32>
    %jit3A_157 = arith.constant 1024 : i32
    %broadcast_in_dim3A_158 = vector.broadcast %jit3A_157 : i32 to vector<128x2048xi32>
    %select_n3A_159 = arith.select %eq3A_156, %iota3A, %broadcast_in_dim3A_158 : vector<128x2048xi1>, vector<128x2048xi32>
    %reduce_min3A_160 = arith.constant dense<2147483647> : vector<2048xi32>
    %reduce_min3A_161 = vector.multi_reduction <minsi>, %select_n3A_159, %reduce_min3A_160 [0] : vector<128x2048xi32> to vector<2048xi32>
    %add3A_162 = arith.constant 896 : i32
    %add3A_163 = vector.broadcast %add3A_162 : i32 to vector<2048xi32>
    %add3A_164 = arith.addi %reduce_min3A_161, %add3A_163 : vector<2048xi32>
    %lt3A_165 = arith.cmpf olt, %reduce_min3A_153, %select_n3A_148 : vector<2048xf32>
    %select_n3A_166 = arith.select %lt3A_165, %add3A_164, %select_n3A_147 : vector<2048xi1>, vector<2048xi32>
    %select_n3A_167 = arith.select %lt3A_165, %reduce_min3A_153, %select_n3A_148 : vector<2048xi1>, vector<2048xf32>
    %swap3A = arith.constant 0 : index
    %swap3A_168 = arith.constant 0 : index
    %swap3A_169 = arith.constant 0 : index
    %swap3A_170 = vector.load %arg3[%swap3A, %swap3A_168, %swap3A_169] : memref<1x1x2048xi32, #tpu.memory_space<vmem>>, vector<1x1x2048xi32>
    %swap3A_171 = vector.shape_cast %swap3A_170 : vector<1x1x2048xi32> to vector<2048xi32>
    %swap3A_172 = vector.shape_cast %select_n3A_166 : vector<2048xi32> to vector<1x1x2048xi32>
    tpu.vector_store %arg3[%swap3A, %swap3A_168, %swap3A_169], %swap3A_172 {strides = array<i32>} : memref<1x1x2048xi32, #tpu.memory_space<vmem>>, vector<1x1x2048xi32>,
    %mul3A_173 = arith.mulf %concatenate3A, %concatenate3A : vector<64x2048xf32>
    %reduce_sum3A_174 = arith.constant dense<0.000000e+00> : vector<2048xf32>
    %reduce_sum3A_175 = vector.multi_reduction <add>, %mul3A_173, %reduce_sum3A_174 [0] : vector<64x2048xf32> to vector<2048xf32>
    %add3A_176 = arith.addf %select_n3A_167, %reduce_sum3A_175 : vector<2048xf32>
    %reduce_sum3A_177 = vector.shape_cast %add3A_176 : vector<2048xf32> to vector<1x2048xf32>
    %reduce_sum3A_178 = arith.constant dense<0.000000e+00> : vector<1xf32>
    %reduce_sum3A_179 = vector.multi_reduction <add>, %reduce_sum3A_177, %reduce_sum3A_178 [1] : vector<1x2048xf32> to vector<1xf32>
    %reduce_sum3A_180 = vector.shape_cast %reduce_sum3A_179 : vector<1xf32> to vector<1x1xf32>
    %reduce_sum3A_181 = vector.extract %reduce_sum3A_180[0, 0] : f32 from vector<1x1xf32>
    %eq3A_182 = arith.constant 0 : i32
    %eq3A_183 = arith.cmpi eq, %arg0, %eq3A_182 : i32
    %convert_element_type3A = arith.extui %eq3A_183 : i1 to i32
    %cond3A = arith.constant 0 : i32
    %cond3A_184 = arith.cmpi ne, %convert_element_type3A, %cond3A : i32
    scf.if %cond3A_184 {
      %broadcast_in_dim3A_192 = arith.constant 0.000000e+00 : f32
      %broadcast_in_dim3A_193 = vector.broadcast %broadcast_in_dim3A_192 : f32 to vector<1x1xf32>
      %swap3A_194 = arith.constant 0 : index
      %swap3A_195 = arith.constant 0 : index
      %swap3A_196 = vector.load %arg4[%swap3A_194, %swap3A_195] : memref<1x1xf32, #tpu.memory_space<vmem>>, vector<1x1xf32>
      tpu.vector_store %arg4[%swap3A_194, %swap3A_195], %broadcast_in_dim3A_193 {strides = array<i32>} : memref<1x1xf32, #tpu.memory_space<vmem>>, vector<1x1xf32>,
    } else {
    }
    %get3A_185 = arith.constant 0 : index
    %get3A_186 = arith.constant 0 : index
    %get3A_187 = vector.load %arg4[%get3A_185, %get3A_186] : memref<1x1xf32, #tpu.memory_space<vmem>>, vector<1x1xf32>
    %reshape3A = vector.broadcast %reduce_sum3A_181 : f32 to vector<1x1xf32>
    %add3A_188 = arith.addf %get3A_187, %reshape3A : vector<1x1xf32>
    %swap3A_189 = arith.constant 0 : index
    %swap3A_190 = arith.constant 0 : index
    %swap3A_191 = vector.load %arg4[%swap3A_189, %swap3A_190] : memref<1x1xf32, #tpu.memory_space<vmem>>, vector<1x1xf32>
    tpu.vector_store %arg4[%swap3A_189, %swap3A_190], %add3A_188 {strides = array<i32>} : memref<1x1xf32, #tpu.memory_space<vmem>>, vector<1x1xf32>,
    return
  }
  func.func @transform_0(%arg0: i32) -> (i32, i32, i32) {
    %c0_i32 = arith.constant 0 : i32
    %c0_i32_0 = arith.constant 0 : i32
    %c0_i32_1 = arith.constant 0 : i32
    return %arg0, %c0_i32, %c0_i32_0 : i32, i32, i32
  }
  func.func @transform_1(%arg0: i32) -> (i32, i32) {
    %c0_i32 = arith.constant 0 : i32
    %c0_i32_0 = arith.constant 0 : i32
    %c0_i32_1 = arith.constant 0 : i32
    return %c0_i32, %c0_i32_0 : i32, i32
  }
  func.func @transform_2(%arg0: i32) -> (i32, i32, i32) {
    %c0_i32 = arith.constant 0 : i32
    %c0_i32_0 = arith.constant 0 : i32
    %c0_i32_1 = arith.constant 0 : i32
    return %arg0, %c0_i32, %c0_i32_0 : i32, i32, i32
  }
  func.func @transform_3(%arg0: i32) -> (i32, i32) {
    %c0_i32 = arith.constant 0 : i32
    %c0_i32_0 = arith.constant 0 : i32
    %c0_i32_1 = arith.constant 0 : i32
    return %c0_i32, %c0_i32_0 : i32, i32
  }
}

</mosaic_0001>

<sc_bundles>
// kernel: kernel.4.cloned.1.call-start
scs
__scs_entry_jumppad:
0x0: {  	(pc) =	sbr.rel $0x88, $3  }
0x1: {  	(tag) =	ssettag $0x0;
	lr =	simm.s32 $0x1  }
0x2: {  	[smem:$0x3F9F] =	sst lr;
	_ =	strace $0xD0000000  }
0x3: {  	_ = 	snop  }
0x4: {  	_ = 	snop  }
0x5: {  	_ = 	snop  }
0x6: {  	_ = 	snop  }
0x7: {  	_ = 	snop  }
__scs_overlays_trampoline_lowered:
0x8: {  	[smem:$0x3FAE] =	sst s0  }
0x9: {  	[smem:$0x3FAF] =	sst s1  }
0xa: {  	[smem:$0x3FB0] =	sst s2  }
0xb: {  	[smem:$0x3FB1] =	sst s3  }
0xc: {  	[smem:$0x3FB2] =	sst s4  }
0xd: {  	[smem:$0x3FB3] =	sst s5  }
0xe: {  	[smem:$0x3FB4] =	sst s6  }
0xf: {  	[smem:$0x3FB5] =	sst s7  }
0x10: {  	[smem:$0x3FB6] =	sst s8  }
0x11: {  	[smem:$0x3FB7] =	sst s9;
	s0 =	simm.s32 @!p0 $0x0  }
0x12: {  	s1 =	sld [smem:$0x3F9D];
	s0 =	simm.s32 @p0 $0x1  }
0x13: {  	[smem:$0x3FB8] =	sst s0;
	s0 =	simm.s32 @!p1 $0x0  }
0x14: {  	s2 =	sld [smem:$0x3F9C];
	s0 =	simm.s32 @p1 $0x1  }
0x15: {  	[smem:$0x3FB9] =	sst s0;
	s0 =	simm.s32 @!p2 $0x0  }
0x16: {  	s3 =	sld [smem:$0x3FDB];
	s0 =	simm.s32 @p2 $0x1  }
0x17: {  	s4 =	simm.s32 $0x1BF5;
	[smem:$0x3FBB] =	sst s0  }
0x18: {  	s0 =	sld [smem:$0x3F9E];
	_ =	swait.ge [sflag:s4], $0x0  }
0x19: {  	s7 =	sld [smem:$0x3F9F]  }
0x1a: {  	s8 =	sadd.s32 $0xFFFFE003, lr  }
0x1b: {  	s9 =	sadd.s32 $0xFFFFFEF7, lr;
	s5 =	simm.s32 $0xFFFFFFFF;
	p2 =	slt.u32 s8, $0xFFFFF086  }
0x1c: {  	p1 =	slt.u32 s9, $0xF7A;
	s5 =	simm.s32 @!p2 $0x0  }
0x1d: {  	s5 =	simm.s32 @p1 $0x1;
	p0 =	seq.s32 s7, s2  }
0x1e: {  	s7 =	smul.u32 @!p0 $0xF7A, s2;
	p2 =	seq.s32 @!p0 s5, $0x0  }
0x1f: {  	s9 =	smul.u32 $0xF7A, s1;
	s8 =	simm.s32 @!p0 $0x1BF5;
	p2 =	por !p2, p0  }
0x20: {  	[sflag:s8] =	ssyncset.s32 @!p0 $0xFFFFF086;
	s6 =	sadd.s32 @!p0 s3, s7;
	s7 =	simm.s32 @!p0 $0x108  }
0x21: {  	s3 =	sadd.s32 s3, s9;
	s6 =	sadd.s32 @!p0 $0x88, s6;
	s7 =	simm.s32 @p2 $0x1082  }
0x22: {  	[simem:s7], [sflag:s8] =	dma.local @!p0 [hbm:s6], $0xF7A  }
0x23: {  	s9 =	sor.u32 $0xD0000000, s2;
	s6 =	simm.s32 $0x108;
	_ =	swait.ge @!p0 [sflag:s8], $0x0  }
0x24: {  	s3 =	sadd.s32 $0x88, s3;
	s6 =	simm.s32 @!p1 $0x1082;
	[sflag:s4] =	ssyncset.s32 $0xFFFFF086  }
0x25: {  	[simem:s6], [sflag:s4] =	dma.local [hbm:s3], $0xF7A  }
0x26: {  	[smem:$0x3F9F] =	sst s1;
	(tag) =	ssettag s2;
	_ =	strace s9  }
0x27: {  	s1 =	sld [smem:$0x3FAF]  }
0x28: {  	s2 =	sld [smem:$0x3FB0]  }
0x29: {  	s4 =	sld [smem:$0x3FB2]  }
0x2a: {  	p0 =	seq.s32 s5, $0x0;
	s5 =	sld [smem:$0x3FB3]  }
0x2b: {  	s6 =	sld [smem:$0x3FB4]  }
0x2c: {  	s7 =	sld [smem:$0x3FB5]  }
0x2d: {  	s3 =	simm.s32 $0x108;
	s8 =	sld [smem:$0x3FB6]  }
0x2e: {  	s3 =	simm.s32 @!p0 $0x1082;
	s9 =	sld [smem:$0x3FB7]  }
0x2f: {  	lr =	sadd.s32 s0, s3;
	s0 =	sld [smem:$0x3FAE]  }
0x30: {  	s3 =	sld [smem:$0x3FB1]  }
0x31: {  	[smem:$0x3FBA] =	sst s10  }
0x32: {  	s10 =	sld [smem:$0x3FB8];
	_ =	sdelay $0x3  }
0x33: {  	p0 =	seq.s32 s10, $0x1;
	s10 =	sld [smem:$0x3FBA];
	_ =	sdelay $0x3  }
0x34: {  	[smem:$0x3FBA] =	sst s10  }
0x35: {  	s10 =	sld [smem:$0x3FB9];
	_ =	sdelay $0x3  }
0x36: {  	p1 =	seq.s32 s10, $0x1;
	s10 =	sld [smem:$0x3FBA];
	_ =	sdelay $0x3  }
0x37: {  	[smem:$0x3FBA] =	sst s10  }
0x38: {  	s10 =	sld [smem:$0x3FBB]  }
0x39: {  	_ = 	snop;
	(pc) =	sbr.ind lr, $3  }
0x3a: {  	_ = 	snop  }
0x3b: {  	_ = 	snop  }
0x3c: {  	p2 =	seq.s32 s10, $0x1;
	s10 =	sld [smem:$0x3FBA]  }
0x3d: {  	_ =	shalt  }
0x3e: {  	_ =	shalt  }
0x3f: {  	_ =	shalt  }
0x40: {  	_ =	shalt  }
0x41: {  	_ =	shalt  }
0x42: {  	_ =	shalt  }
0x43: {  	_ =	shalt  }
0x44: {  	_ =	shalt  }
0x45: {  	_ =	shalt  }
0x46: {  	_ =	shalt  }
0x47: {  	_ =	shalt  }
0x48: {  	_ =	shalt  }
0x49: {  	_ =	shalt  }
0x4a: {  	_ =	shalt  }
0x4b: {  	_ =	shalt  }
0x4c: {  	_ =	shalt  }
0x4d: {  	_ =	shalt  }
0x4e: {  	_ =	shalt  }
0x4f: {  	_ =	shalt  }
0x50: {  	_ =	shalt  }
0x51: {  	_ =	shalt  }
0x52: {  	_ =	shalt  }
0x53: {  	_ =	shalt  }
0x54: {  	_ =	shalt  }
0x55: {  	_ =	shalt  }
0x56: {  	_ =	shalt  }
0x57: {  	_ =	shalt  }
0x58: {  	_ =	shalt  }
0x59: {  	_ =	shalt  }
0x5a: {  	_ =	shalt  }
0x5b: {  	_ =	shalt  }
0x5c: {  	_ =	shalt  }
0x5d: {  	_ =	shalt  }
0x5e: {  	_ =	shalt  }
0x5f: {  	_ =	shalt  }
0x60: {  	_ =	shalt  }
0x61: {  	_ =	shalt  }
0x62: {  	_ =	shalt  }
0x63: {  	_ =	shalt  }
0x64: {  	_ =	shalt  }
0x65: {  	_ =	shalt  }
0x66: {  	_ =	shalt  }
0x67: {  	_ =	shalt  }
0x68: {  	_ =	shalt  }
0x69: {  	_ =	shalt  }
0x6a: {  	_ =	shalt  }
0x6b: {  	_ =	shalt  }
0x6c: {  	_ =	shalt  }
0x6d: {  	_ =	shalt  }
0x6e: {  	_ =	shalt  }
0x6f: {  	_ =	shalt  }
0x70: {  	_ =	shalt  }
0x71: {  	_ =	shalt  }
0x72: {  	_ =	shalt  }
0x73: {  	_ =	shalt  }
0x74: {  	_ =	shalt  }
0x75: {  	_ =	shalt  }
0x76: {  	_ =	shalt  }
0x77: {  	_ =	shalt  }
0x78: {  	_ =	shalt  }
0x79: {  	_ =	shalt  }
0x7a: {  	_ =	shalt  }
0x7b: {  	_ =	shalt  }
0x7c: {  	_ =	shalt  }
0x7d: {  	_ =	shalt  }
0x7e: {  	_ =	shalt  }
0x7f: {  	_ =	shalt  }
0x80: {  	_ =	shalt  }
0x81: {  	_ =	shalt  }
0x82: {  	_ =	shalt  }
0x83: {  	_ =	shalt  }
0x84: {  	_ =	shalt  }
0x85: {  	_ =	shalt  }
0x86: {  	_ =	shalt  }
0x87: {  	_ =	shalt  }
.Lfunc_end0:
.L_simem_size_0:
called_computation_lowered:
.L_overlay_start_0:
0x88: {  	s2 =	sld [smem:$0x3FD9]  }
0x89: {  	s3 =	sld [smem:$0x3FFE];
	_ =	sdelay $0x1  }
0x8a: {  	s1 =	srdreg.scid  }
0x8b: {  	s0 =	sand.u32 $0x1, s1  }
0x8c: {  	s14 =	sshll.u32 s0, $0xA;
	s2 =	sadd.s32 s3, s2  }
0x8d: {  	s2 =	sadd.s32 s2, s14  }
0x8e: {  	[smem:$0x3FC6] =	sst s2  }
0x8f: {  	_ = 	snop  }
0x90: {  	s2 =	sld [smem:$0x3FD0];
	_ =	sdelay $0x2  }
0x91: {  	s15 =	simm.s32 $0xA;
	s4 =	simm.s32 $0x10  }
0x92: {  	[smem:s4], [sflag:s15] =	dma.local [hbm:s2], $0x1  }
0x93: {  	_ =	swait.eq [sflag:s15], $0x1  }
0x94: {  	[sflag:s15] =	ssyncset.done $0x0  }
0x95: {  	[sflag:s15] =	ssyncadd.s32 $0xFFFFFFFF  }
0x96: {  	s16 =	sld [smem:$0x10];
	(tm) =	ssettm $0x1  }
0x97: {  	s17 =	sld [smem:$0x3FFB];
	_ =	sdelay $0x3  }
0x98: {  	_ =	strace s17  }
0x99: {  	s3 =	sld [smem:$0x3FFC];
	_ =	sdelay $0x3  }
0x9a: {  	_ =	strace s3  }
0x9b: {  	s3 =	sld [smem:$0x3FFD];
	_ =	sdelay $0x3  }
0x9c: {  	_ =	strace s3  }
0x9d: {  	_ =	strace $0x8FFFFFFF  }
0x9e: {  	s18 =	sld [smem:$0x3FDB];
	_ =	sdelay $0x1  }
0x9f: {  	s19 =	simm.s32 $_scs_section_size  }
0xa0: {  	s5 =	simm.s32 $_size__tile_overlayer_lowered;
	s6 =	simm.s32 $_tile_overlayer_lowered  }
0xa1: {  	s22 =	simm.s32 $0x1BFF;
	s21 =	sshll.u32 s6, $0x1;
	s3 =	sadd.s32 s19, s18  }
0xa2: {  	s7 =	simm.s32 $0x0;
	s20 =	sshll.u32 s5, $0x1;
	s5 =	sadd.s32 s21, s3  }
0xa3: {  	[timem:s7], [sflag:s22] =	dma.local [hbm:s5], s20  }
0xa4: {  	_ =	swait.ge [sflag:s22], s20  }
0xa5: {  	s4 =	ssub.s32 $0x0, s20;
	[sflag:s22] =	ssyncset.done $0x0  }
0xa6: {  	[sflag:s22] =	ssyncadd.s32 s4;
	_ =	sdelay $0x1  }
0xa7: {  	s23 =	simm.s32 $0x1B8B  }
0xa8: {  	_ =	swait.ge [sflag:s23], $0x1  }
0xa9: {  	[sflag:s23] =	ssyncset.done $0x0  }
0xaa: {  	s25 =	simm.s32 $0x1B8E;
	s24 =	sld [smem:$0x3FFE];
	[sflag:s23] =	ssyncadd.s32 $0xFFFFFFFF  }
0xab: {  	s26 =	simm.s32 $execute0_lowered;
	[smem:$0x3FD2] =	sst s25  }
0xac: {  	s5 =	sshll.u32 s26, $0x1;
	_ =	strace $0x80000046;
	[dreg:$0x1] =	wrdreg $0xFFFFFFFF  }
0xad: {  	s28 =	simm.s32 $_size_execute0_lowered;
	s3 =	sadd.s32 s3, s5;
	[dreg:$0x0] =	wrdreg $0x0  }
0xae: {  	s5 =	sshll.u32 s28, $0x1;
	[dreg:$0x2] =	wrdreg s3  }
0xaf: {  	[dreg:$0x3] =	wrdreg s5  }
0xb0: {  	[dreg:$0x4] =	wrdreg $0xC0  }
0xb1: {  	_ =	task [dreg:s7], $0x5FFFF  }
0xb2: {  	[dreg:$0x1] =	wrdreg $0xFFFFFFFF  }
0xb3: {  	[dreg:$0x0] =	wrdreg $0x60  }
0xb4: {  	[dreg:$0x2] =	wrdreg s16  }
0xb5: {  	[dreg:$0x3] =	wrdreg s24  }
0xb6: {  	[dreg:$0x4] =	wrdreg $0x9  }
0xb7: {  	_ =	task.clear_ibuf [dreg:s7], $0x5FFFF;
	_ =	strace $0x90000046  }
0xb8: {  	s29 =	simm.s32 $0x9;
	_ =	strace $0x80000048  }
0xb9: {  	_ =	swait.ge [sflag:s29], $0x1  }
0xba: {  	[sflag:s29] =	ssyncadd.s32 $0xFFFFFFFF  }
0xbb: {  	_ =	strace $0x90000048  }
0xbc: {  	_ =	sfence  }
0xbd: {  	s30 =	sld [smem:$0x0];
	_ =	sdelay $0x2  }
0xbe: {  	s31 =	sshll.u32 s1, $0xD;
	s1 =	sshrl.u32 s1, $0x2  }
0xbf: {  	s3 =	sand.u32 $0x4000, s31;
	s1 =	sadd.s32 s1, s30  }
0xc0: {  	s0 =	sor.u32 s3, s0;
	s1 =	sshll.u32 s1, $0x11  }
0xc1: {  	s0 =	sor.u32 s1, s0  }
0xc2: {  	s0 =	sadd.s32 $0x8F2B, s0  }
0xc3: {  	[sflag:s0] =	ssyncadd.remote.s32 $0x1  }
0xc4: {  	_ =	sfence.sel $0xFFFF  }
0xc5: {  	[dreg:$0x0] =	wrdreg $0xFFFFFFFF;
	(pc) =	sbr.abs _section_cstart, $3  }
0xc6: {  	[dreg:$0x1] =	wrdreg $0xFFFFFFFF  }
0xc7: {  	_ =	task.clear_ibuf [dreg:s7], $0x2FFFF;
	_ =	strace $0x9FFFFFFF  }
0xc8: {  	(tm) =	ssettm $0x7FFFFFFF  }
0xc9: {  	_ =	shalt  }
tec
execute0_lowered:
.L_overlay_start_1:
0x0: {  	(tag) =	ssettag $0x1  }
0x1: {  	s0 =	rddreg [dreg:$0x0]  }
0x2: {  	s1 =	rddreg [dreg:$0x1];
	s2 =	simm.s32 $0x0;
	s3 =	srdreg.scid  }
0x3: {  	s4 =	stileid.u32;
	s22 =	simm.s32 $0x2;
	s23 =	simm.s32 $0x4800  }
0x4: {  	s29 =	simm.s32 $0xB800;
	s30 =	simm.s32 $0xC000;
	s31 =	simm.s32 $0x1  }
0x5: {  	[smem:$0x7FF] =	sst s2;
	s3 =	sand.u32 $0x1, s3;
	s4 =	sshll.u32 s4, $0x9  }
0x6: {  	_ =	strace $0x80000047;
	s5 =	sshll.u32 s3, $0x8;
	s6 =	ssub.s32 $0x2, s3  }
0x7: {  	s3 =	sadd.s32 $0xE00, s1;
	s4 =	sor.u32 s5, s4;
	s28 =	sshrl.u32 s6, $0x1  }
0x8: {  	s1 =	sadd.s32 s4, s1;
	s21 =	ssub.s32 s6, s28;
	s4 =	sadd.s32 s0, s4  }
0x9: {  	s0 =	simm.s32 $0x0;
	s5 =	sadd.s32 $0x1600, s1;
	s6 =	sadd.s32 $0x3600, s1  }
0xa: {  	s7 =	sadd.s32 $0x5600, s1;
	s8 =	sadd.s32 $0x7600, s1;
	s9 =	sadd.s32 $0x9600, s1  }
0xb: {  	s10 =	sadd.s32 $0xB600, s1;
	s11 =	sadd.s32 $0xD600, s1;
	s12 =	sadd.s32 $0xF600, s1  }
0xc: {  	s13 =	sadd.s32 $0x11600, s1;
	s14 =	sadd.s32 $0x13600, s1;
	s15 =	sadd.s32 $0x15600, s1  }
0xd: {  	s16 =	sadd.s32 $0x17600, s1;
	s17 =	sadd.s32 $0x19600, s1;
	s18 =	sadd.s32 $0x1B600, s1  }
0xe: {  	s19 =	sadd.s32 $0x1D600, s1;
	s20 =	sadd.s32 $0x1F600, s1;
	s21 =	smax.u32 s21, $0x1  }
.LBB2_1:
0xf: {  	[tilespmem:s2], [sflag:$0x2] =	stream.linear.gather [hbm4b:s4+s2], $0x800, $0x38;
	[tilespmem:$0xC800] =	vst v63  }
0x10: {  	_ =	swait.ge [sflag:s22], $0x800  }
0x11: {  	[sflag:s22] =	ssyncset.done $0x0  }
0x12: {  	s1 =	simm.s32 $0x800;
	[sflag:s22] =	ssyncadd.s32 $0xFFFFF800  }
0x13: {  	[tilespmem:s1], [sflag:$0x2] =	stream.linear.gather [hbm4b:s3+s2], $0x4000, $0x38;
	[tilespmem:$0xC800] =	vst v63  }
0x14: {  	_ =	swait.ge [sflag:s22], $0x4000  }
0x15: {  	[sflag:s22] =	ssyncset.done $0x0  }
0x16: {  	[sflag:s22] =	ssyncadd.s32 $0xFFFFC000  }
0x17: {  	v0 =	vld [tilespmem:s1+$0x0];
	_ =	sdelay $0x7  }
0x18: {  	v1 =	vld.idx.msk [tilespmem:v0+s2+$0x0], $0xffff  }
0x19: {  	v0 =	vadd.s32 $0x400, v0;
	_ =	sdelay $0x3  }
0x1a: {  	[tilespmem:s23+$0x0] =	vst v1  }
0x1b: {  	v0 =	vld.idx.msk [tilespmem:v0+s2+$0x0], $0xffff;
	_ =	sdelay $0x3  }
0x1c: {  	s28 =	sand.u32 $0x3F0, s2  }
0x1d: {  	s24 =	simm.s32 $0x810;
	[tilespmem:s28+$0x4C00] =	vst v0  }
0x1e: {  	s26 =	simm.s32 $0x20;
	s25 =	simm.s32 $0x4800;
	s1 =	simm.s32 $0x10;
	v0 =	vld [tilespmem:s24+$0x0]  }
.LBB2_2:
0x1f: {  	p0 =	sne.s32 s26, $0x3F0;
	_ =	sdelay $0x6  }
0x20: {  	v1 =	vld.idx.msk [tilespmem:v0+s2+$0x0], $0xffff;
	_ =	sdelay $0x1  }
0x21: {  	v0 =	vadd.s32 $0x400, v0;
	_ =	sdelay $0x2  }
0x22: {  	s25 =	sadd.s32 $0x10, s25  }
0x23: {  	[tilespmem:s25+$0x0] =	vst v1  }
0x24: {  	v0 =	vld.idx.msk [tilespmem:v0+s2+$0x0], $0xffff;
	_ =	sdelay $0x2  }
.Ltmp0:
0x25: {  	(pc) =	sbr.rel @p0 .LBB2_2-.Ltmp0, $4  }
0x26: {  	_ = 	snop  }
0x27: {  	s28 =	sand.u32 $0x3F0, s1;
	s1 =	smov.u32 s26  }
0x28: {  	s24 =	sadd.s32 $0x10, s24;
	[tilespmem:s28+$0x4C00] =	vst v0  }
0x29: {  	s26 =	sadd.s32 $0x10, s26;
	v0 =	vld [tilespmem:s24+$0x0]  }
0x2a: {  	_ =	sdelay $0x7  }
0x2b: {  	v1 =	vld.idx.msk [tilespmem:v0+s2+$0x0], $0xffff  }
0x2c: {  	v0 =	vadd.s32 $0x400, v0;
	_ =	sdelay $0x2  }
0x2d: {  	s24 =	sadd.s32 $0x10, s25  }
0x2e: {  	[tilespmem:s24+$0x0] =	vst v1  }
0x2f: {  	v0 =	vld.idx.msk [tilespmem:v0+s2+$0x0], $0xffff;
	_ =	sdelay $0x3  }
0x30: {  	s1 =	sand.u32 $0x3F0, s1;
	s26 =	simm.s32 $0x0  }
0x31: {  	[tilespmem:s1+$0x4C00] =	vst v0;
	s1 =	sand.u32 $0x3F0, s26  }
0x32: {  	[hbm4b:s5+s26] =	stream.linear.scatter [tilespmem:s23], [sflag:$0x1], $0x800, $0x38;
	[tilespmem:$0xC800] =	vst v63  }
0x33: {  	v1 =	vld [tilespmem:s1+$0xC00];
	_ =	sdelay $0x7  }
0x34: {  	v0 =	vld.idx.msk [tilespmem:v1+s2+$0x0], $0xffff  }
0x35: {  	v1 =	vadd.s32 $0x400, v1;
	_ =	sdelay $0x1  }
0x36: {  	s28 =	simm.s32 $0x10  }
0x37: {  	s25 =	simm.s32 $0x20;
	s24 =	sand.u32 $0x3F0, s28  }
.LBB2_4:
0x38: {  	p0 =	sne.s32 s25, $0x3F0;
	v2 =	vld [tilespmem:s24+$0xC00];
	[tilespmem:s1+$0x5000] =	vst v0  }
0x39: {  	v0 =	vld.idx.msk [tilespmem:v1+s2+$0x0], $0xffff;
	_ =	sdelay $0x5  }
0x3a: {  	[tilespmem:s1+$0x5400] =	vst v0;
	s1 =	smov.u32 s24  }
0x3b: {  	v0 =	vld.idx.msk [tilespmem:v2+s2+$0x0], $0xffff  }
.Ltmp1:
0x3c: {  	(pc) =	sbr.rel @p0 .LBB2_4-.Ltmp1, $2  }
0x3d: {  	v1 =	vadd.s32 $0x400, v2;
	_ =	sdelay $0x2  }
0x3e: {  	s24 =	sand.u32 $0x3F0, s25;
	s25 =	sadd.s32 $0x10, s25  }
0x3f: {  	_ =	sdelay $0x1  }
0x40: {  	v2 =	vld [tilespmem:s24+$0xC00]  }
0x41: {  	[tilespmem:s1+$0x5000] =	vst v0  }
0x42: {  	v0 =	vld.idx.msk [tilespmem:v1+s2+$0x0], $0xffff;
	_ =	sdelay $0x4  }
0x43: {  	[tilespmem:s1+$0x5400] =	vst v0  }
0x44: {  	v0 =	vld.idx.msk [tilespmem:v2+s2+$0x0], $0xffff  }
0x45: {  	v1 =	vadd.s32 $0x400, v2;
	_ =	sdelay $0x3  }
0x46: {  	[tilespmem:s24+$0x5000] =	vst v0  }
0x47: {  	v0 =	vld.idx.msk [tilespmem:v1+s2+$0x0], $0xffff;
	_ =	sdelay $0x3  }
0x48: {  	s25 =	simm.s32 $0x0  }
0x49: {  	s26 =	simm.s32 $0x5000;
	s1 =	sand.u32 $0x3F0, s25;
	[tilespmem:s24+$0x5400] =	vst v0  }
0x4a: {  	[hbm4b:s6+s25] =	stream.linear.scatter [tilespmem:s26], [sflag:$0x1], $0x800, $0x38;
	[tilespmem:$0xC800] =	vst v63  }
0x4b: {  	v1 =	vld [tilespmem:s1+$0x1000];
	_ =	sdelay $0x7  }
0x4c: {  	v0 =	vld.idx.msk [tilespmem:v1+s2+$0x0], $0xffff  }
0x4d: {  	v1 =	vadd.s32 $0x400, v1;
	_ =	sdelay $0x1  }
0x4e: {  	s28 =	simm.s32 $0x10  }
0x4f: {  	s24 =	sand.u32 $0x3F0, s28;
	s25 =	simm.s32 $0x20  }
.LBB2_6:
0x50: {  	p0 =	sne.s32 s25, $0x3F0;
	v2 =	vld [tilespmem:s24+$0x1000];
	[tilespmem:s1+$0x5800] =	vst v0  }
0x51: {  	v0 =	vld.idx.msk [tilespmem:v1+s2+$0x0], $0xffff;
	_ =	sdelay $0x5  }
0x52: {  	[tilespmem:s1+$0x5C00] =	vst v0;
	s1 =	smov.u32 s24  }
0x53: {  	v0 =	vld.idx.msk [tilespmem:v2+s2+$0x0], $0xffff  }
.Ltmp2:
0x54: {  	(pc) =	sbr.rel @p0 .LBB2_6-.Ltmp2, $2  }
0x55: {  	v1 =	vadd.s32 $0x400, v2;
	_ =	sdelay $0x2  }
0x56: {  	s24 =	sand.u32 $0x3F0, s25;
	s25 =	sadd.s32 $0x10, s25  }
0x57: {  	_ =	sdelay $0x1  }
0x58: {  	v2 =	vld [tilespmem:s24+$0x1000]  }
0x59: {  	[tilespmem:s1+$0x5800] =	vst v0  }
0x5a: {  	v0 =	vld.idx.msk [tilespmem:v1+s2+$0x0], $0xffff;
	_ =	sdelay $0x4  }
0x5b: {  	[tilespmem:s1+$0x5C00] =	vst v0  }
0x5c: {  	v0 =	vld.idx.msk [tilespmem:v2+s2+$0x0], $0xffff  }
0x5d: {  	v1 =	vadd.s32 $0x400, v2;
	_ =	sdelay $0x3  }
0x5e: {  	[tilespmem:s24+$0x5800] =	vst v0  }
0x5f: {  	v0 =	vld.idx.msk [tilespmem:v1+s2+$0x0], $0xffff;
	_ =	sdelay $0x3  }
0x60: {  	s25 =	simm.s32 $0x0  }
0x61: {  	s26 =	simm.s32 $0x5800;
	s1 =	sand.u32 $0x3F0, s25;
	[tilespmem:s24+$0x5C00] =	vst v0  }
0x62: {  	[hbm4b:s7+s25] =	stream.linear.scatter [tilespmem:s26], [sflag:$0x1], $0x800, $0x38;
	[tilespmem:$0xC800] =	vst v63  }
0x63: {  	v1 =	vld [tilespmem:s1+$0x1400];
	_ =	sdelay $0x7  }
0x64: {  	v0 =	vld.idx.msk [tilespmem:v1+s2+$0x0], $0xffff  }
0x65: {  	v1 =	vadd.s32 $0x400, v1;
	_ =	sdelay $0x1  }
0x66: {  	s28 =	simm.s32 $0x10  }
0x67: {  	s24 =	sand.u32 $0x3F0, s28;
	s25 =	simm.s32 $0x20  }
.LBB2_8:
0x68: {  	p0 =	sne.s32 s25, $0x3F0;
	v2 =	vld [tilespmem:s24+$0x1400];
	[tilespmem:s1+$0x6000] =	vst v0  }
0x69: {  	v0 =	vld.idx.msk [tilespmem:v1+s2+$0x0], $0xffff;
	_ =	sdelay $0x5  }
0x6a: {  	[tilespmem:s1+$0x6400] =	vst v0;
	s1 =	smov.u32 s24  }
0x6b: {  	v0 =	vld.idx.msk [tilespmem:v2+s2+$0x0], $0xffff  }
.Ltmp3:
0x6c: {  	(pc) =	sbr.rel @p0 .LBB2_8-.Ltmp3, $2  }
0x6d: {  	v1 =	vadd.s32 $0x400, v2;
	_ =	sdelay $0x2  }
0x6e: {  	s24 =	sand.u32 $0x3F0, s25;
	s25 =	sadd.s32 $0x10, s25  }
0x6f: {  	_ =	sdelay $0x1  }
0x70: {  	v2 =	vld [tilespmem:s24+$0x1400]  }
0x71: {  	[tilespmem:s1+$0x6000] =	vst v0  }
0x72: {  	v0 =	vld.idx.msk [tilespmem:v1+s2+$0x0], $0xffff;
	_ =	sdelay $0x4  }
0x73: {  	[tilespmem:s1+$0x6400] =	vst v0  }
0x74: {  	v0 =	vld.idx.msk [tilespmem:v2+s2+$0x0], $0xffff  }
0x75: {  	v1 =	vadd.s32 $0x400, v2;
	_ =	sdelay $0x3  }
0x76: {  	[tilespmem:s24+$0x6000] =	vst v0  }
0x77: {  	v0 =	vld.idx.msk [tilespmem:v1+s2+$0x0], $0xffff;
	_ =	sdelay $0x3  }
0x78: {  	s25 =	simm.s32 $0x0  }
0x79: {  	s26 =	simm.s32 $0x6000;
	s1 =	sand.u32 $0x3F0, s25;
	[tilespmem:s24+$0x6400] =	vst v0  }
0x7a: {  	[hbm4b:s8+s25] =	stream.linear.scatter [tilespmem:s26], [sflag:$0x1], $0x800, $0x38;
	[tilespmem:$0xC800] =	vst v63  }
0x7b: {  	v1 =	vld [tilespmem:s1+$0x1800];
	_ =	sdelay $0x7  }
0x7c: {  	v0 =	vld.idx.msk [tilespmem:v1+s2+$0x0], $0xffff  }
0x7d: {  	v1 =	vadd.s32 $0x400, v1;
	_ =	sdelay $0x1  }
0x7e: {  	s28 =	simm.s32 $0x10  }
0x7f: {  	s24 =	sand.u32 $0x3F0, s28;
	s25 =	simm.s32 $0x20  }
.LBB2_10:
0x80: {  	p0 =	sne.s32 s25, $0x3F0;
	v2 =	vld [tilespmem:s24+$0x1800];
	[tilespmem:s1+$0x6800] =	vst v0  }
0x81: {  	v0 =	vld.idx.msk [tilespmem:v1+s2+$0x0], $0xffff;
	_ =	sdelay $0x5  }
0x82: {  	[tilespmem:s1+$0x6C00] =	vst v0;
	s1 =	smov.u32 s24  }
0x83: {  	v0 =	vld.idx.msk [tilespmem:v2+s2+$0x0], $0xffff  }
.Ltmp4:
0x84: {  	(pc) =	sbr.rel @p0 .LBB2_10-.Ltmp4, $2  }
0x85: {  	v1 =	vadd.s32 $0x400, v2;
	_ =	sdelay $0x2  }
0x86: {  	s24 =	sand.u32 $0x3F0, s25;
	s25 =	sadd.s32 $0x10, s25  }
0x87: {  	_ =	sdelay $0x1  }
0x88: {  	v2 =	vld [tilespmem:s24+$0x1800]  }
0x89: {  	[tilespmem:s1+$0x6800] =	vst v0  }
0x8a: {  	v0 =	vld.idx.msk [tilespmem:v1+s2+$0x0], $0xffff;
	_ =	sdelay $0x4  }
0x8b: {  	[tilespmem:s1+$0x6C00] =	vst v0  }
0x8c: {  	v0 =	vld.idx.msk [tilespmem:v2+s2+$0x0], $0xffff  }
0x8d: {  	v1 =	vadd.s32 $0x400, v2;
	_ =	sdelay $0x3  }
0x8e: {  	[tilespmem:s24+$0x6800] =	vst v0  }
0x8f: {  	v0 =	vld.idx.msk [tilespmem:v1+s2+$0x0], $0xffff;
	_ =	sdelay $0x3  }
0x90: {  	s25 =	simm.s32 $0x0  }
0x91: {  	s26 =	simm.s32 $0x6800;
	s1 =	sand.u32 $0x3F0, s25;
	[tilespmem:s24+$0x6C00] =	vst v0  }
0x92: {  	[hbm4b:s9+s25] =	stream.linear.scatter [tilespmem:s26], [sflag:$0x1], $0x800, $0x38;
	[tilespmem:$0xC800] =	vst v63  }
0x93: {  	v1 =	vld [tilespmem:s1+$0x1C00];
	_ =	sdelay $0x7  }
0x94: {  	v0 =	vld.idx.msk [tilespmem:v1+s2+$0x0], $0xffff  }
0x95: {  	v1 =	vadd.s32 $0x400, v1;
	_ =	sdelay $0x1  }
0x96: {  	s28 =	simm.s32 $0x10  }
0x97: {  	s24 =	sand.u32 $0x3F0, s28;
	s25 =	simm.s32 $0x20  }
.LBB2_12:
0x98: {  	p0 =	sne.s32 s25, $0x3F0;
	v2 =	vld [tilespmem:s24+$0x1C00];
	[tilespmem:s1+$0x7000] =	vst v0  }
0x99: {  	v0 =	vld.idx.msk [tilespmem:v1+s2+$0x0], $0xffff;
	_ =	sdelay $0x5  }
0x9a: {  	[tilespmem:s1+$0x7400] =	vst v0;
	s1 =	smov.u32 s24  }
0x9b: {  	v0 =	vld.idx.msk [tilespmem:v2+s2+$0x0], $0xffff  }
.Ltmp5:
0x9c: {  	(pc) =	sbr.rel @p0 .LBB2_12-.Ltmp5, $2  }
0x9d: {  	v1 =	vadd.s32 $0x400, v2;
	_ =	sdelay $0x2  }
0x9e: {  	s24 =	sand.u32 $0x3F0, s25;
	s25 =	sadd.s32 $0x10, s25  }
0x9f: {  	_ =	sdelay $0x1  }
0xa0: {  	v2 =	vld [tilespmem:s24+$0x1C00]  }
0xa1: {  	[tilespmem:s1+$0x7000] =	vst v0  }
0xa2: {  	v0 =	vld.idx.msk [tilespmem:v1+s2+$0x0], $0xffff;
	_ =	sdelay $0x4  }
0xa3: {  	[tilespmem:s1+$0x7400] =	vst v0  }
0xa4: {  	v0 =	vld.idx.msk [tilespmem:v2+s2+$0x0], $0xffff  }
0xa5: {  	v1 =	vadd.s32 $0x400, v2;
	_ =	sdelay $0x3  }
0xa6: {  	[tilespmem:s24+$0x7000] =	vst v0  }
0xa7: {  	v0 =	vld.idx.msk [tilespmem:v1+s2+$0x0], $0xffff;
	_ =	sdelay $0x3  }
0xa8: {  	s25 =	simm.s32 $0x0  }
0xa9: {  	s26 =	simm.s32 $0x7000;
	s1 =	sand.u32 $0x3F0, s25;
	[tilespmem:s24+$0x7400] =	vst v0  }
0xaa: {  	[hbm4b:s10+s25] =	stream.linear.scatter [tilespmem:s26], [sflag:$0x1], $0x800, $0x38;
	[tilespmem:$0xC800] =	vst v63  }
0xab: {  	v1 =	vld [tilespmem:s1+$0x2000];
	_ =	sdelay $0x7  }
0xac: {  	v0 =	vld.idx.msk [tilespmem:v1+s2+$0x0], $0xffff  }
0xad: {  	v1 =	vadd.s32 $0x400, v1;
	_ =	sdelay $0x1  }
0xae: {  	s28 =	simm.s32 $0x10  }
0xaf: {  	s24 =	sand.u32 $0x3F0, s28;
	s25 =	simm.s32 $0x20  }
.LBB2_14:
0xb0: {  	p0 =	sne.s32 s25, $0x3F0;
	v2 =	vld [tilespmem:s24+$0x2000];
	[tilespmem:s1+$0x7800] =	vst v0  }
0xb1: {  	v0 =	vld.idx.msk [tilespmem:v1+s2+$0x0], $0xffff;
	_ =	sdelay $0x5  }
0xb2: {  	[tilespmem:s1+$0x7C00] =	vst v0;
	s1 =	smov.u32 s24  }
0xb3: {  	v0 =	vld.idx.msk [tilespmem:v2+s2+$0x0], $0xffff  }
.Ltmp6:
0xb4: {  	(pc) =	sbr.rel @p0 .LBB2_14-.Ltmp6, $2  }
0xb5: {  	v1 =	vadd.s32 $0x400, v2;
	_ =	sdelay $0x2  }
0xb6: {  	s24 =	sand.u32 $0x3F0, s25;
	s25 =	sadd.s32 $0x10, s25  }
0xb7: {  	_ =	sdelay $0x1  }
0xb8: {  	v2 =	vld [tilespmem:s24+$0x2000]  }
0xb9: {  	[tilespmem:s1+$0x7800] =	vst v0  }
0xba: {  	v0 =	vld.idx.msk [tilespmem:v1+s2+$0x0], $0xffff;
	_ =	sdelay $0x4  }
0xbb: {  	[tilespmem:s1+$0x7C00] =	vst v0  }
0xbc: {  	v0 =	vld.idx.msk [tilespmem:v2+s2+$0x0], $0xffff  }
0xbd: {  	v1 =	vadd.s32 $0x400, v2;
	_ =	sdelay $0x3  }
0xbe: {  	[tilespmem:s24+$0x7800] =	vst v0  }
0xbf: {  	v0 =	vld.idx.msk [tilespmem:v1+s2+$0x0], $0xffff;
	_ =	sdelay $0x3  }
0xc0: {  	s25 =	simm.s32 $0x0  }
0xc1: {  	s26 =	simm.s32 $0x7800;
	s1 =	sand.u32 $0x3F0, s25;
	[tilespmem:s24+$0x7C00] =	vst v0  }
0xc2: {  	[hbm4b:s11+s25] =	stream.linear.scatter [tilespmem:s26], [sflag:$0x1], $0x800, $0x38;
	[tilespmem:$0xC800] =	vst v63  }
0xc3: {  	v1 =	vld [tilespmem:s1+$0x2400];
	_ =	sdelay $0x7  }
0xc4: {  	v0 =	vld.idx.msk [tilespmem:v1+s2+$0x0], $0xffff  }
0xc5: {  	v1 =	vadd.s32 $0x400, v1;
	_ =	sdelay $0x1  }
0xc6: {  	s28 =	simm.s32 $0x10  }
0xc7: {  	s24 =	sand.u32 $0x3F0, s28;
	s25 =	simm.s32 $0x20  }
.LBB2_16:
0xc8: {  	p0 =	sne.s32 s25, $0x3F0;
	v2 =	vld [tilespmem:s24+$0x2400];
	[tilespmem:s1+$0x8000] =	vst v0  }
0xc9: {  	v0 =	vld.idx.msk [tilespmem:v1+s2+$0x0], $0xffff;
	_ =	sdelay $0x5  }
0xca: {  	[tilespmem:s1+$0x8400] =	vst v0;
	s1 =	smov.u32 s24  }
0xcb: {  	v0 =	vld.idx.msk [tilespmem:v2+s2+$0x0], $0xffff  }
.Ltmp7:
0xcc: {  	(pc) =	sbr.rel @p0 .LBB2_16-.Ltmp7, $2  }
0xcd: {  	v1 =	vadd.s32 $0x400, v2;
	_ =	sdelay $0x2  }
0xce: {  	s24 =	sand.u32 $0x3F0, s25;
	s25 =	sadd.s32 $0x10, s25  }
0xcf: {  	_ =	sdelay $0x1  }
0xd0: {  	v2 =	vld [tilespmem:s24+$0x2400]  }
0xd1: {  	[tilespmem:s1+$0x8000] =	vst v0  }
0xd2: {  	v0 =	vld.idx.msk [tilespmem:v1+s2+$0x0], $0xffff;
	_ =	sdelay $0x4  }
0xd3: {  	[tilespmem:s1+$0x8400] =	vst v0  }
0xd4: {  	v0 =	vld.idx.msk [tilespmem:v2+s2+$0x0], $0xffff  }
0xd5: {  	v1 =	vadd.s32 $0x400, v2;
	_ =	sdelay $0x3  }
0xd6: {  	[tilespmem:s24+$0x8000] =	vst v0  }
0xd7: {  	v0 =	vld.idx.msk [tilespmem:v1+s2+$0x0], $0xffff;
	_ =	sdelay $0x3  }
0xd8: {  	s25 =	simm.s32 $0x0  }
0xd9: {  	s26 =	simm.s32 $0x8000;
	s1 =	sand.u32 $0x3F0, s25;
	[tilespmem:s24+$0x8400] =	vst v0  }
0xda: {  	[hbm4b:s12+s25] =	stream.linear.scatter [tilespmem:s26], [sflag:$0x1], $0x800, $0x38;
	[tilespmem:$0xC800] =	vst v63  }
0xdb: {  	v1 =	vld [tilespmem:s1+$0x2800];
	_ =	sdelay $0x7  }
0xdc: {  	v0 =	vld.idx.msk [tilespmem:v1+s2+$0x0], $0xffff  }
0xdd: {  	v1 =	vadd.s32 $0x400, v1;
	_ =	sdelay $0x1  }
0xde: {  	s28 =	simm.s32 $0x10  }
0xdf: {  	s24 =	sand.u32 $0x3F0, s28;
	s25 =	simm.s32 $0x20  }
.LBB2_18:
0xe0: {  	p0 =	sne.s32 s25, $0x3F0;
	v2 =	vld [tilespmem:s24+$0x2800];
	[tilespmem:s1+$0x8800] =	vst v0  }
0xe1: {  	v0 =	vld.idx.msk [tilespmem:v1+s2+$0x0], $0xffff;
	_ =	sdelay $0x5  }
0xe2: {  	[tilespmem:s1+$0x8C00] =	vst v0;
	s1 =	smov.u32 s24  }
0xe3: {  	v0 =	vld.idx.msk [tilespmem:v2+s2+$0x0], $0xffff  }
.Ltmp8:
0xe4: {  	(pc) =	sbr.rel @p0 .LBB2_18-.Ltmp8, $2  }
0xe5: {  	v1 =	vadd.s32 $0x400, v2;
	_ =	sdelay $0x2  }
0xe6: {  	s24 =	sand.u32 $0x3F0, s25;
	s25 =	sadd.s32 $0x10, s25  }
0xe7: {  	_ =	sdelay $0x1  }
0xe8: {  	v2 =	vld [tilespmem:s24+$0x2800]  }
0xe9: {  	[tilespmem:s1+$0x8800] =	vst v0  }
0xea: {  	v0 =	vld.idx.msk [tilespmem:v1+s2+$0x0], $0xffff;
	_ =	sdelay $0x4  }
0xeb: {  	[tilespmem:s1+$0x8C00] =	vst v0  }
0xec: {  	v0 =	vld.idx.msk [tilespmem:v2+s2+$0x0], $0xffff  }
0xed: {  	v1 =	vadd.s32 $0x400, v2;
	_ =	sdelay $0x3  }
0xee: {  	[tilespmem:s24+$0x8800] =	vst v0  }
0xef: {  	v0 =	vld.idx.msk [tilespmem:v1+s2+$0x0], $0xffff;
	_ =	sdelay $0x3  }
0xf0: {  	s25 =	simm.s32 $0x0  }
0xf1: {  	s26 =	simm.s32 $0x8800;
	s1 =	sand.u32 $0x3F0, s25;
	[tilespmem:s24+$0x8C00] =	vst v0  }
0xf2: {  	[hbm4b:s13+s25] =	stream.linear.scatter [tilespmem:s26], [sflag:$0x1], $0x800, $0x38;
	[tilespmem:$0xC800] =	vst v63  }
0xf3: {  	v1 =	vld [tilespmem:s1+$0x2C00];
	_ =	sdelay $0x7  }
0xf4: {  	v0 =	vld.idx.msk [tilespmem:v1+s2+$0x0], $0xffff  }
0xf5: {  	v1 =	vadd.s32 $0x400, v1;
	_ =	sdelay $0x1  }
0xf6: {  	s28 =	simm.s32 $0x10  }
0xf7: {  	s24 =	sand.u32 $0x3F0, s28;
	s25 =	simm.s32 $0x20  }
.LBB2_20:
0xf8: {  	p0 =	sne.s32 s25, $0x3F0;
	v2 =	vld [tilespmem:s24+$0x2C00];
	[tilespmem:s1+$0x9000] =	vst v0  }
0xf9: {  	v0 =	vld.idx.msk [tilespmem:v1+s2+$0x0], $0xffff;
	_ =	sdelay $0x5  }
0xfa: {  	[tilespmem:s1+$0x9400] =	vst v0;
	s1 =	smov.u32 s24  }
0xfb: {  	v0 =	vld.idx.msk [tilespmem:v2+s2+$0x0], $0xffff  }
.Ltmp9:
0xfc: {  	(pc) =	sbr.rel @p0 .LBB2_20-.Ltmp9, $2  }
0xfd: {  	v1 =	vadd.s32 $0x400, v2;
	_ =	sdelay $0x2  }
0xfe: {  	s24 =	sand.u32 $0x3F0, s25;
	s25 =	sadd.s32 $0x10, s25  }
0xff: {  	_ =	sdelay $0x1  }
0x100: {  	v2 =	vld [tilespmem:s24+$0x2C00]  }
0x101: {  	[tilespmem:s1+$0x9000] =	vst v0  }
0x102: {  	v0 =	vld.idx.msk [tilespmem:v1+s2+$0x0], $0xffff;
	_ =	sdelay $0x4  }
0x103: {  	[tilespmem:s1+$0x9400] =	vst v0  }
0x104: {  	v0 =	vld.idx.msk [tilespmem:v2+s2+$0x0], $0xffff  }
0x105: {  	v1 =	vadd.s32 $0x400, v2;
	_ =	sdelay $0x3  }
0x106: {  	[tilespmem:s24+$0x9000] =	vst v0  }
0x107: {  	v0 =	vld.idx.msk [tilespmem:v1+s2+$0x0], $0xffff;
	_ =	sdelay $0x3  }
0x108: {  	s25 =	simm.s32 $0x0  }
0x109: {  	s26 =	simm.s32 $0x9000;
	s1 =	sand.u32 $0x3F0, s25;
	[tilespmem:s24+$0x9400] =	vst v0  }
0x10a: {  	[hbm4b:s14+s25] =	stream.linear.scatter [tilespmem:s26], [sflag:$0x1], $0x800, $0x38;
	[tilespmem:$0xC800] =	vst v63  }
0x10b: {  	v1 =	vld [tilespmem:s1+$0x3000];
	_ =	sdelay $0x7  }
0x10c: {  	v0 =	vld.idx.msk [tilespmem:v1+s2+$0x0], $0xffff  }
0x10d: {  	v1 =	vadd.s32 $0x400, v1;
	_ =	sdelay $0x1  }
0x10e: {  	s28 =	simm.s32 $0x10  }
0x10f: {  	s24 =	sand.u32 $0x3F0, s28;
	s25 =	simm.s32 $0x20  }
.LBB2_22:
0x110: {  	p0 =	sne.s32 s25, $0x3F0;
	v2 =	vld [tilespmem:s24+$0x3000];
	[tilespmem:s1+$0x9800] =	vst v0  }
0x111: {  	v0 =	vld.idx.msk [tilespmem:v1+s2+$0x0], $0xffff;
	_ =	sdelay $0x5  }
0x112: {  	[tilespmem:s1+$0x9C00] =	vst v0;
	s1 =	smov.u32 s24  }
0x113: {  	v0 =	vld.idx.msk [tilespmem:v2+s2+$0x0], $0xffff  }
.Ltmp10:
0x114: {  	(pc) =	sbr.rel @p0 .LBB2_22-.Ltmp10, $2  }
0x115: {  	v1 =	vadd.s32 $0x400, v2;
	_ =	sdelay $0x2  }
0x116: {  	s24 =	sand.u32 $0x3F0, s25;
	s25 =	sadd.s32 $0x10, s25  }
0x117: {  	_ =	sdelay $0x1  }
0x118: {  	v2 =	vld [tilespmem:s24+$0x3000]  }
0x119: {  	[tilespmem:s1+$0x9800] =	vst v0  }
0x11a: {  	v0 =	vld.idx.msk [tilespmem:v1+s2+$0x0], $0xffff;
	_ =	sdelay $0x4  }
0x11b: {  	[tilespmem:s1+$0x9C00] =	vst v0  }
0x11c: {  	v0 =	vld.idx.msk [tilespmem:v2+s2+$0x0], $0xffff  }
0x11d: {  	v1 =	vadd.s32 $0x400, v2;
	_ =	sdelay $0x3  }
0x11e: {  	[tilespmem:s24+$0x9800] =	vst v0  }
0x11f: {  	v0 =	vld.idx.msk [tilespmem:v1+s2+$0x0], $0xffff;
	_ =	sdelay $0x3  }
0x120: {  	s25 =	simm.s32 $0x0  }
0x121: {  	s26 =	simm.s32 $0x9800;
	s1 =	sand.u32 $0x3F0, s25;
	[tilespmem:s24+$0x9C00] =	vst v0  }
0x122: {  	[hbm4b:s15+s25] =	stream.linear.scatter [tilespmem:s26], [sflag:$0x1], $0x800, $0x38;
	[tilespmem:$0xC800] =	vst v63  }
0x123: {  	v1 =	vld [tilespmem:s1+$0x3400];
	_ =	sdelay $0x7  }
0x124: {  	v0 =	vld.idx.msk [tilespmem:v1+s2+$0x0], $0xffff  }
0x125: {  	v1 =	vadd.s32 $0x400, v1;
	_ =	sdelay $0x1  }
0x126: {  	s28 =	simm.s32 $0x10  }
0x127: {  	s24 =	sand.u32 $0x3F0, s28;
	s25 =	simm.s32 $0x20  }
.LBB2_24:
0x128: {  	p0 =	sne.s32 s25, $0x3F0;
	v2 =	vld [tilespmem:s24+$0x3400];
	[tilespmem:s1+$0xA000] =	vst v0  }
0x129: {  	v0 =	vld.idx.msk [tilespmem:v1+s2+$0x0], $0xffff;
	_ =	sdelay $0x5  }
0x12a: {  	[tilespmem:s1+$0xA400] =	vst v0;
	s1 =	smov.u32 s24  }
0x12b: {  	v0 =	vld.idx.msk [tilespmem:v2+s2+$0x0], $0xffff  }
.Ltmp11:
0x12c: {  	(pc) =	sbr.rel @p0 .LBB2_24-.Ltmp11, $2  }
0x12d: {  	v1 =	vadd.s32 $0x400, v2;
	_ =	sdelay $0x2  }
0x12e: {  	s24 =	sand.u32 $0x3F0, s25;
	s25 =	sadd.s32 $0x10, s25  }
0x12f: {  	_ =	sdelay $0x1  }
0x130: {  	v2 =	vld [tilespmem:s24+$0x3400]  }
0x131: {  	[tilespmem:s1+$0xA000] =	vst v0  }
0x132: {  	v0 =	vld.idx.msk [tilespmem:v1+s2+$0x0], $0xffff;
	_ =	sdelay $0x4  }
0x133: {  	[tilespmem:s1+$0xA400] =	vst v0  }
0x134: {  	v0 =	vld.idx.msk [tilespmem:v2+s2+$0x0], $0xffff  }
0x135: {  	v1 =	vadd.s32 $0x400, v2;
	_ =	sdelay $0x3  }
0x136: {  	[tilespmem:s24+$0xA000] =	vst v0  }
0x137: {  	v0 =	vld.idx.msk [tilespmem:v1+s2+$0x0], $0xffff;
	_ =	sdelay $0x3  }
0x138: {  	s25 =	simm.s32 $0x0  }
0x139: {  	s26 =	simm.s32 $0xA000;
	s1 =	sand.u32 $0x3F0, s25;
	[tilespmem:s24+$0xA400] =	vst v0  }
0x13a: {  	[hbm4b:s16+s25] =	stream.linear.scatter [tilespmem:s26], [sflag:$0x1], $0x800, $0x38;
	[tilespmem:$0xC800] =	vst v63  }
0x13b: {  	v1 =	vld [tilespmem:s1+$0x3800];
	_ =	sdelay $0x7  }
0x13c: {  	v0 =	vld.idx.msk [tilespmem:v1+s2+$0x0], $0xffff  }
0x13d: {  	v1 =	vadd.s32 $0x400, v1;
	_ =	sdelay $0x1  }
0x13e: {  	s28 =	simm.s32 $0x10  }
0x13f: {  	s24 =	sand.u32 $0x3F0, s28;
	s25 =	simm.s32 $0x20  }
.LBB2_26:
0x140: {  	p0 =	sne.s32 s25, $0x3F0;
	v2 =	vld [tilespmem:s24+$0x3800];
	[tilespmem:s1+$0xA800] =	vst v0  }
0x141: {  	v0 =	vld.idx.msk [tilespmem:v1+s2+$0x0], $0xffff;
	_ =	sdelay $0x5  }
0x142: {  	[tilespmem:s1+$0xAC00] =	vst v0;
	s1 =	smov.u32 s24  }
0x143: {  	v0 =	vld.idx.msk [tilespmem:v2+s2+$0x0], $0xffff  }
.Ltmp12:
0x144: {  	(pc) =	sbr.rel @p0 .LBB2_26-.Ltmp12, $2  }
0x145: {  	v1 =	vadd.s32 $0x400, v2;
	_ =	sdelay $0x2  }
0x146: {  	s24 =	sand.u32 $0x3F0, s25;
	s25 =	sadd.s32 $0x10, s25  }
0x147: {  	_ =	sdelay $0x1  }
0x148: {  	v2 =	vld [tilespmem:s24+$0x3800]  }
0x149: {  	[tilespmem:s1+$0xA800] =	vst v0  }
0x14a: {  	v0 =	vld.idx.msk [tilespmem:v1+s2+$0x0], $0xffff;
	_ =	sdelay $0x4  }
0x14b: {  	[tilespmem:s1+$0xAC00] =	vst v0  }
0x14c: {  	v0 =	vld.idx.msk [tilespmem:v2+s2+$0x0], $0xffff  }
0x14d: {  	v1 =	vadd.s32 $0x400, v2;
	_ =	sdelay $0x3  }
0x14e: {  	[tilespmem:s24+$0xA800] =	vst v0  }
0x14f: {  	v0 =	vld.idx.msk [tilespmem:v1+s2+$0x0], $0xffff;
	_ =	sdelay $0x3  }
0x150: {  	s25 =	simm.s32 $0x0  }
0x151: {  	s26 =	simm.s32 $0xA800;
	s1 =	sand.u32 $0x3F0, s25;
	[tilespmem:s24+$0xAC00] =	vst v0  }
0x152: {  	[hbm4b:s17+s25] =	stream.linear.scatter [tilespmem:s26], [sflag:$0x1], $0x800, $0x38;
	[tilespmem:$0xC800] =	vst v63  }
0x153: {  	v1 =	vld [tilespmem:s1+$0x3C00];
	_ =	sdelay $0x7  }
0x154: {  	v0 =	vld.idx.msk [tilespmem:v1+s2+$0x0], $0xffff  }
0x155: {  	v1 =	vadd.s32 $0x400, v1;
	_ =	sdelay $0x1  }
0x156: {  	s28 =	simm.s32 $0x10  }
0x157: {  	s24 =	sand.u32 $0x3F0, s28;
	s25 =	simm.s32 $0x20  }
.LBB2_28:
0x158: {  	p0 =	sne.s32 s25, $0x3F0;
	v2 =	vld [tilespmem:s24+$0x3C00];
	[tilespmem:s1+$0xB000] =	vst v0  }
0x159: {  	v0 =	vld.idx.msk [tilespmem:v1+s2+$0x0], $0xffff;
	_ =	sdelay $0x5  }
0x15a: {  	[tilespmem:s1+$0xB400] =	vst v0;
	s1 =	smov.u32 s24  }
0x15b: {  	v0 =	vld.idx.msk [tilespmem:v2+s2+$0x0], $0xffff  }
.Ltmp13:
0x15c: {  	(pc) =	sbr.rel @p0 .LBB2_28-.Ltmp13, $2  }
0x15d: {  	v1 =	vadd.s32 $0x400, v2;
	_ =	sdelay $0x2  }
0x15e: {  	s24 =	sand.u32 $0x3F0, s25;
	s25 =	sadd.s32 $0x10, s25  }
0x15f: {  	_ =	sdelay $0x1  }
0x160: {  	v2 =	vld [tilespmem:s24+$0x3C00]  }
0x161: {  	[tilespmem:s1+$0xB000] =	vst v0  }
0x162: {  	v0 =	vld.idx.msk [tilespmem:v1+s2+$0x0], $0xffff;
	_ =	sdelay $0x4  }
0x163: {  	[tilespmem:s1+$0xB400] =	vst v0  }
0x164: {  	v0 =	vld.idx.msk [tilespmem:v2+s2+$0x0], $0xffff  }
0x165: {  	v1 =	vadd.s32 $0x400, v2;
	_ =	sdelay $0x3  }
0x166: {  	[tilespmem:s24+$0xB000] =	vst v0  }
0x167: {  	v0 =	vld.idx.msk [tilespmem:v1+s2+$0x0], $0xffff;
	_ =	sdelay $0x3  }
0x168: {  	s25 =	simm.s32 $0x0  }
0x169: {  	s26 =	simm.s32 $0xB000;
	s1 =	sand.u32 $0x3F0, s25;
	[tilespmem:s24+$0xB400] =	vst v0  }
0x16a: {  	[hbm4b:s18+s25] =	stream.linear.scatter [tilespmem:s26], [sflag:$0x1], $0x800, $0x38;
	[tilespmem:$0xC800] =	vst v63  }
0x16b: {  	v1 =	vld [tilespmem:s1+$0x4000];
	_ =	sdelay $0x7  }
0x16c: {  	v0 =	vld.idx.msk [tilespmem:v1+s2+$0x0], $0xffff  }
0x16d: {  	v1 =	vadd.s32 $0x400, v1;
	_ =	sdelay $0x1  }
0x16e: {  	s28 =	simm.s32 $0x10  }
0x16f: {  	s24 =	sand.u32 $0x3F0, s28;
	s25 =	simm.s32 $0x20  }
.LBB2_30:
0x170: {  	p0 =	sne.s32 s25, $0x3F0;
	v2 =	vld [tilespmem:s24+$0x4000];
	[tilespmem:s1+$0xB800] =	vst v0  }
0x171: {  	v0 =	vld.idx.msk [tilespmem:v1+s2+$0x0], $0xffff;
	_ =	sdelay $0x5  }
0x172: {  	[tilespmem:s1+$0xBC00] =	vst v0;
	s1 =	smov.u32 s24  }
0x173: {  	v0 =	vld.idx.msk [tilespmem:v2+s2+$0x0], $0xffff  }
.Ltmp14:
0x174: {  	(pc) =	sbr.rel @p0 .LBB2_30-.Ltmp14, $2  }
0x175: {  	v1 =	vadd.s32 $0x400, v2;
	_ =	sdelay $0x2  }
0x176: {  	s24 =	sand.u32 $0x3F0, s25;
	s25 =	sadd.s32 $0x10, s25  }
0x177: {  	_ =	sdelay $0x1  }
0x178: {  	v2 =	vld [tilespmem:s24+$0x4000]  }
0x179: {  	[tilespmem:s1+$0xB800] =	vst v0  }
0x17a: {  	v0 =	vld.idx.msk [tilespmem:v1+s2+$0x0], $0xffff;
	_ =	sdelay $0x4  }
0x17b: {  	[tilespmem:s1+$0xBC00] =	vst v0  }
0x17c: {  	v0 =	vld.idx.msk [tilespmem:v2+s2+$0x0], $0xffff  }
0x17d: {  	v1 =	vadd.s32 $0x400, v2;
	_ =	sdelay $0x3  }
0x17e: {  	[tilespmem:s24+$0xB800] =	vst v0  }
0x17f: {  	v0 =	vld.idx.msk [tilespmem:v1+s2+$0x0], $0xffff;
	_ =	sdelay $0x3  }
0x180: {  	s26 =	simm.s32 $0x0  }
0x181: {  	s1 =	sand.u32 $0x3F0, s26;
	[tilespmem:s24+$0xBC00] =	vst v0  }
0x182: {  	[hbm4b:s19+s26] =	stream.linear.scatter [tilespmem:s29], [sflag:$0x1], $0x800, $0x38;
	[tilespmem:$0xC800] =	vst v63  }
0x183: {  	v1 =	vld [tilespmem:s1+$0x4400];
	_ =	sdelay $0x7  }
0x184: {  	v0 =	vld.idx.msk [tilespmem:v1+s2+$0x0], $0xffff  }
0x185: {  	v1 =	vadd.s32 $0x400, v1;
	_ =	sdelay $0x1  }
0x186: {  	s28 =	simm.s32 $0x10  }
0x187: {  	s25 =	simm.s32 $0x20;
	s24 =	sand.u32 $0x3F0, s28  }
.LBB2_32:
0x188: {  	p0 =	sne.s32 s25, $0x3F0;
	v2 =	vld [tilespmem:s24+$0x4400];
	[tilespmem:s1+$0xC000] =	vst v0  }
0x189: {  	v0 =	vld.idx.msk [tilespmem:v1+s2+$0x0], $0xffff;
	_ =	sdelay $0x5  }
0x18a: {  	[tilespmem:s1+$0xC400] =	vst v0;
	s1 =	smov.u32 s24  }
0x18b: {  	v0 =	vld.idx.msk [tilespmem:v2+s2+$0x0], $0xffff  }
.Ltmp15:
0x18c: {  	(pc) =	sbr.rel @p0 .LBB2_32-.Ltmp15, $2  }
0x18d: {  	v1 =	vadd.s32 $0x400, v2;
	_ =	sdelay $0x2  }
0x18e: {  	s24 =	sand.u32 $0x3F0, s25;
	s25 =	sadd.s32 $0x10, s25  }
0x18f: {  	_ =	sdelay $0x1  }
0x190: {  	v2 =	vld [tilespmem:s24+$0x4400]  }
0x191: {  	[tilespmem:s1+$0xC000] =	vst v0  }
0x192: {  	v0 =	vld.idx.msk [tilespmem:v1+s2+$0x0], $0xffff;
	_ =	sdelay $0x4  }
0x193: {  	[tilespmem:s1+$0xC400] =	vst v0  }
0x194: {  	v0 =	vld.idx.msk [tilespmem:v2+s2+$0x0], $0xffff  }
0x195: {  	v63 =	vadd.s32 $0x400, v2;
	_ =	sdelay $0x3  }
0x196: {  	[tilespmem:s24+$0xC000] =	vst v0  }
0x197: {  	v0 =	vld.idx.msk [tilespmem:v63+s2+$0x0], $0xffff;
	_ =	sdelay $0x4  }
0x198: {  	[tilespmem:s24+$0xC400] =	vst v0  }
0x199: {  	[hbm4b:s20+s2] =	stream.linear.scatter [tilespmem:s30], [sflag:$0x1], $0x800, $0x38;
	[tilespmem:$0xC800] =	vst v63  }
0x19a: {  	_ =	swait.ge [sflag:s31], $0x800  }
0x19b: {  	[sflag:s31] =	ssyncset.done $0x0  }
0x19c: {  	[sflag:s31] =	ssyncadd.s32 $0xFFFFF800  }
0x19d: {  	_ =	swait.ge [sflag:s31], $0x800  }
0x19e: {  	[sflag:s31] =	ssyncset.done $0x0  }
0x19f: {  	[sflag:s31] =	ssyncadd.s32 $0xFFFFF800  }
0x1a0: {  	_ =	swait.ge [sflag:s31], $0x800  }
0x1a1: {  	[sflag:s31] =	ssyncset.done $0x0  }
0x1a2: {  	[sflag:s31] =	ssyncadd.s32 $0xFFFFF800  }
0x1a3: {  	_ =	swait.ge [sflag:s31], $0x800  }
0x1a4: {  	[sflag:s31] =	ssyncset.done $0x0  }
0x1a5: {  	[sflag:s31] =	ssyncadd.s32 $0xFFFFF800  }
0x1a6: {  	_ =	swait.ge [sflag:s31], $0x800  }
0x1a7: {  	[sflag:s31] =	ssyncset.done $0x0  }
0x1a8: {  	[sflag:s31] =	ssyncadd.s32 $0xFFFFF800  }
0x1a9: {  	_ =	swait.ge [sflag:s31], $0x800  }
0x1aa: {  	[sflag:s31] =	ssyncset.done $0x0  }
0x1ab: {  	[sflag:s31] =	ssyncadd.s32 $0xFFFFF800  }
0x1ac: {  	_ =	swait.ge [sflag:s31], $0x800  }
0x1ad: {  	[sflag:s31] =	ssyncset.done $0x0  }
0x1ae: {  	[sflag:s31] =	ssyncadd.s32 $0xFFFFF800  }
0x1af: {  	_ =	swait.ge [sflag:s31], $0x800  }
0x1b0: {  	[sflag:s31] =	ssyncset.done $0x0  }
0x1b1: {  	[sflag:s31] =	ssyncadd.s32 $0xFFFFF800  }
0x1b2: {  	_ =	swait.ge [sflag:s31], $0x800  }
0x1b3: {  	[sflag:s31] =	ssyncset.done $0x0  }
0x1b4: {  	[sflag:s31] =	ssyncadd.s32 $0xFFFFF800  }
0x1b5: {  	_ =	swait.ge [sflag:s31], $0x800  }
0x1b6: {  	[sflag:s31] =	ssyncset.done $0x0  }
0x1b7: {  	[sflag:s31] =	ssyncadd.s32 $0xFFFFF800  }
0x1b8: {  	_ =	swait.ge [sflag:s31], $0x800  }
0x1b9: {  	[sflag:s31] =	ssyncset.done $0x0  }
0x1ba: {  	[sflag:s31] =	ssyncadd.s32 $0xFFFFF800  }
0x1bb: {  	_ =	swait.ge [sflag:s31], $0x800  }
0x1bc: {  	[sflag:s31] =	ssyncset.done $0x0  }
0x1bd: {  	[sflag:s31] =	ssyncadd.s32 $0xFFFFF800  }
0x1be: {  	_ =	swait.ge [sflag:s31], $0x800  }
0x1bf: {  	[sflag:s31] =	ssyncset.done $0x0  }
0x1c0: {  	[sflag:s31] =	ssyncadd.s32 $0xFFFFF800  }
0x1c1: {  	_ =	swait.ge [sflag:s31], $0x800  }
0x1c2: {  	[sflag:s31] =	ssyncset.done $0x0  }
0x1c3: {  	s0 =	sadd.s32 $0x1, s0;
	[sflag:s31] =	ssyncadd.s32 $0xFFFFF800  }
0x1c4: {  	p0 =	sne.s32 s0, s21;
	_ =	swait.ge [sflag:s31], $0x800  }
.Ltmp16:
0x1c5: {  	[sflag:s31] =	ssyncset.done $0x0;
	(pc) =	sbr.rel @p0 .LBB2_1-.Ltmp16, $4  }
0x1c6: {  	[sflag:s31] =	ssyncadd.s32 $0xFFFFF800  }
0x1c7: {  	_ =	swait.ge [sflag:s31], $0x800  }
0x1c8: {  	[sflag:s31] =	ssyncset.done $0x0  }
0x1c9: {  	[sflag:s31] =	ssyncadd.s32 $0xFFFFF800  }
0x1ca: {  	_ =	sfence.sel $0x180000  }
0x1cb: {  	[bflag:$0x0] =	sbarrier.arrive $0xFFFF  }
0x1cc: {  	_ =	strace $0x90000047  }
0x1cd: {  	s0 =	stileid.u32;
	[bflag:$0x2] =	sbarrier.arrive $0xFFFF  }
0x1ce: {  	p0 =	sne.s32 s0, $0x0;
	s0 =	rddreg [dreg:$0x2]  }
0x1cf: {  	s0 =	sadd.s32 @!p0 $0x100000, s0  }
0x1d0: {  	[sflag:s0] =	ssyncadd.tile.s32 @!p0 $0x1;
	_ =	shalt  }
.Lfunc_end2:
_tile_overlayer_lowered:
.L_overlay_start_2:
0x1d1: {  	(tag) =	ssettag $0x2  }
0x1d2: {  	s0 =	rddreg [dreg:$0x0];
	s2 =	stileid.u32  }
0x1d3: {  	s1 =	rddreg [dreg:$0x1];
	p0 =	sne.s32 s2, $0x0  }
0x1d4: {  	s3 =	rddreg [dreg:$0x2];
	[bflag:$0x3] =	sbarrier.arrive $0xFFFF;
	s2 =	simm.s32 @!p0 $0x1C02  }
0x1d5: {  	[timem:s3], [sflag:s2] =	dma.local @!p0 [hbm:s0], s1  }
0x1d6: {  	s0 =	simm.s32 @!p0 $0x2  }
0x1d7: {  	_ =	swait.ge @!p0 [sflag:s0], s1  }
0x1d8: {  	s1 =	ssub.s32 @!p0 $0x0, s1;
	[sflag:s0] =	ssyncset.done @!p0 $0x0  }
0x1d9: {  	[sflag:s0] =	ssyncadd.s32 @!p0 s1  }
0x1da: {  	[bflag:$0x3] =	sbarrier.arrive $0xFFFF  }
0x1db: {  	_ =	shalt  }

</sc_bundles>
